<compile_context>
chip_gen: v7x
topology: tpu7x:2x2x1
jax: 0.10.2.dev20260603
libtpu: 0.0.44.dev20260713+nightly
codegen_flags: <defaults>
</compile_context>

<pallas_src>
import functools

import jax
import jax.numpy as jnp
from jax import lax
from jax.experimental import pallas as pl
from jax.experimental.pallas import tpu as pltpu
from jax.experimental.pallas import tpu_sc as plsc

N = 10000
E = 320000
D = 128

NC = 2
NS = 16
CH = 125
CPT = 80
N_ACC = 10240

_mesh = plsc.VectorSubcoreMesh(core_axis_name="c", subcore_axis_name="s")


def _degrees_body(src_hbm, dst_hbm, so_hbm, si_hbm, idx_v, ones_v,
                  zero_v, sbuf, dsem, deg_sh):
    cid = lax.axis_index("c")
    sid = lax.axis_index("s")

    def fill(i, _):
        ones_v[pl.ds(i * 16, 16)] = jnp.ones((16,), jnp.float32)
        return 0

    lax.fori_loop(0, 128 // 16, fill, 0)

    def zfill(i, _):
        zero_v[pl.ds(i * 16, 16)] = jnp.zeros((16,), jnp.float32)
        return 0

    lax.fori_loop(0, 640 // 16, zfill, 0)

    pltpu.sync_copy(zero_v, deg_sh.at[pl.ds(sid * 640, 640)])
    plsc.subcore_barrier()

    ones_c = ones_v.at[pl.ds(0, CH)]

    def body(j, _):
        pltpu.async_copy(ones_c, deg_sh.at[idx_v.at[j]], dsem, add=True)
        return 0

    def drain(j, _):
        pltpu.make_async_copy(ones_c, deg_sh.at[idx_v.at[j]], dsem).wait()
        return 0

    for part in range(NC):
        @pl.when(cid == 0)
        def _():
            pltpu.sync_copy(src_hbm.at[part, sid], idx_v)

        @pl.when(cid == 1)
        def _():
            pltpu.sync_copy(dst_hbm.at[part, sid], idx_v)

        lax.fori_loop(0, CPT, body, 0)
        lax.fori_loop(0, CPT, drain, 0)
    plsc.subcore_barrier()

    pltpu.sync_copy(deg_sh.at[pl.ds(sid * 640, 640)], sbuf)

    def nr(i, _):
        d = jnp.maximum(sbuf[pl.ds(i * 16, 16)], 1.0)
        bits = lax.bitcast_convert_type(d, jnp.int32)
        y = lax.bitcast_convert_type(
            jnp.int32(0x5F3759DF) - lax.shift_right_logical(bits, 1),
            jnp.float32)
        for _ in range(3):
            y = y * (1.5 - 0.5 * d * y * y)
        sbuf[pl.ds(i * 16, 16)] = y
        return 0

    lax.fori_loop(0, 640 // 16, nr, 0)

    @pl.when(cid == 0)
    def _():
        pltpu.sync_copy(sbuf, so_hbm.at[pl.ds(sid * 640, 640)])

    @pl.when(cid == 1)
    def _():
        pltpu.sync_copy(sbuf, si_hbm.at[pl.ds(sid * 640, 640)])


HCPT = CPT // 2


def _aggregate_body(h_hbm, src_hbm, dst_hbm, out_hbm, src_v, dst_v,
                    buf0, buf1, sem0, sem1, acc_sh):
    cid = lax.axis_index("c")
    sid = lax.axis_index("s")

    def zrow(i, _):
        for k in range(D // 16):
            buf0[i, pl.ds(k * 16, 16)] = jnp.zeros((16,), jnp.float32)
        return 0

    lax.fori_loop(0, CH, zrow, 0)
    trows = sid * (N_ACC // NS)
    for k in range(5):
        pltpu.sync_copy(buf0, acc_sh.at[pl.ds(trows + k * CH, CH)])
    pltpu.sync_copy(buf0.at[pl.ds(0, 15)],
                    acc_sh.at[pl.ds(trows + 5 * CH, 15)])
    plsc.subcore_barrier()

    def body(i, _):
        j0 = 2 * i
        j1 = 2 * i + 1
        pltpu.make_async_copy(h_hbm.at[src_v.at[j0]], buf0, sem0).wait()
        pltpu.sync_copy(buf0, acc_sh.at[dst_v.at[j0]], add=True)

        @pl.when(j0 + 2 < HCPT)
        def _():
            pltpu.async_copy(h_hbm.at[src_v.at[j0 + 2]], buf0, sem0)

        pltpu.make_async_copy(h_hbm.at[src_v.at[j1]], buf1, sem1).wait()
        pltpu.sync_copy(buf1, acc_sh.at[dst_v.at[j1]], add=True)

        @pl.when(j1 + 2 < HCPT)
        def _():
            pltpu.async_copy(h_hbm.at[src_v.at[j1 + 2]], buf1, sem1)

        return 0

    for half in range(2):
        pltpu.sync_copy(src_hbm.at[cid, sid, pl.ds(half * HCPT, HCPT)], src_v)
        pltpu.sync_copy(dst_hbm.at[cid, sid, pl.ds(half * HCPT, HCPT)], dst_v)
        pltpu.async_copy(h_hbm.at[src_v.at[0]], buf0, sem0)
        pltpu.async_copy(h_hbm.at[src_v.at[1]], buf1, sem1)
        lax.fori_loop(0, HCPT // 2, body, 0)
    plsc.subcore_barrier()

    rows = N_ACC // NS
    pltpu.sync_copy(acc_sh.at[pl.ds(sid * rows, rows)],
                    out_hbm.at[cid, pl.ds(sid * rows, rows)])


BN = 2048


def _linear_tc_body(s_ref, x_ref, w_ref, o_ref):
    s = s_ref[...]
    o_ref[...] = jnp.dot(x_ref[...] * s[:, None], w_ref[...],
                         preferred_element_type=jnp.float32)


def _final_tc_body(p_ref, s_ref, b_ref, o_ref):
    a = p_ref[0] + p_ref[1]
    s = s_ref[...]
    o_ref[...] = a * s[:, None] + b_ref[...]


def _make_degrees():
    @functools.partial(
        pl.kernel,
        out_type=(
            jax.ShapeDtypeStruct((N_ACC,), jnp.float32),
            jax.ShapeDtypeStruct((N_ACC,), jnp.float32),
        ),
        mesh=_mesh,
        scratch_types=[
            pltpu.VMEM((CPT, CH), jnp.int32),
            pltpu.VMEM((128,), jnp.float32),
            pltpu.VMEM((640,), jnp.float32),
            pltpu.VMEM((640,), jnp.float32),
            pltpu.SemaphoreType.DMA,
            pltpu.VMEM_SHARED((N_ACC,), jnp.float32),
        ],
    )
    def deg_kernel(src_hbm, dst_hbm, so_hbm, si_hbm, idx_v, ones_v,
                   zero_v, sbuf, dsem, deg_sh):
        _degrees_body(src_hbm, dst_hbm, so_hbm, si_hbm, idx_v, ones_v,
                      zero_v, sbuf, dsem, deg_sh)

    return deg_kernel


def _make_aggregate():
    @functools.partial(
        pl.kernel,
        out_type=jax.ShapeDtypeStruct((NC, N_ACC, D), jnp.float32),
        mesh=_mesh,
        scratch_types=[
            pltpu.VMEM((HCPT, CH), jnp.int32),
            pltpu.VMEM((HCPT, CH), jnp.int32),
            pltpu.VMEM((CH, D), jnp.float32),
            pltpu.VMEM((CH, D), jnp.float32),
            pltpu.SemaphoreType.DMA,
            pltpu.SemaphoreType.DMA,
            pltpu.VMEM_SHARED((N_ACC, D), jnp.float32),
        ],
    )
    def agg_kernel(h_hbm, src_hbm, dst_hbm, out_hbm, src_v, dst_v,
                   buf0, buf1, sem0, sem1, acc_sh):
        _aggregate_body(h_hbm, src_hbm, dst_hbm, out_hbm, src_v, dst_v,
                        buf0, buf1, sem0, sem1, acc_sh)

    return agg_kernel


_deg_kernel = _make_degrees()
_agg_kernel = _make_aggregate()

_GRID = N_ACC // BN

_linear_tc = pl.pallas_call(
    _linear_tc_body,
    grid=(_GRID,),
    in_specs=[
        pl.BlockSpec((BN,), lambda i: (i,)),
        pl.BlockSpec((BN, D), lambda i: (i, 0)),
        pl.BlockSpec((D, D), lambda i: (0, 0)),
    ],
    out_specs=pl.BlockSpec((BN, D), lambda i: (i, 0)),
    out_shape=jax.ShapeDtypeStruct((N, D), jnp.float32),
)

_final_tc = pl.pallas_call(
    _final_tc_body,
    grid=(_GRID,),
    in_specs=[
        pl.BlockSpec((NC, BN, D), lambda i: (0, i, 0)),
        pl.BlockSpec((BN,), lambda i: (i,)),
        pl.BlockSpec((D,), lambda i: (0,)),
    ],
    out_specs=pl.BlockSpec((BN, D), lambda i: (i, 0)),
    out_shape=jax.ShapeDtypeStruct((N, D), jnp.float32),
)


def kernel(x, edge_index, W, b):
    src = edge_index[0].reshape(NC, NS, CPT, CH)
    dst = edge_index[1].reshape(NC, NS, CPT, CH)

    s_out, s_in = _deg_kernel(src, dst)
    h = _linear_tc(s_out, x, W)
    parts = _agg_kernel(h, src, dst)
    return _final_tc(parts, s_in, b)

# --- scband reference (transcript-rebuilt; emitter-appended) ---
"""Pipeline reference for scband-tricks-comb-5944234737800 (READ-ONLY COPY).

The authoritative reference and input builder live on the scoring server;
editing this copy changes nothing except your own understanding.
"""

import jax, jax.numpy as jnp
import numpy as np

N_NODES = 10000
N_EDGES = 320000
D_IN = 128
D_OUT = 128


def setup_inputs(seed: int = 0) -> dict:
    key = jax.random.key(seed)
    k1, k2, k3 = jax.random.split(key, 3)
    x = jax.random.normal(k1, (N_NODES, D_IN), dtype=jnp.float32)
    edge_index = jax.random.randint(k2, (2, N_EDGES), 0, N_NODES, dtype=jnp.int32)
    # xavier_uniform init for weight, zeros for bias (matches reset_parameters)
    limit = float(np.sqrt(6.0 / (D_IN + D_OUT)))
    W = jax.random.uniform(k3, (D_IN, D_OUT), minval=-limit, maxval=limit, dtype=jnp.float32)
    b = jnp.zeros((D_OUT,), dtype=jnp.float32)
    return {"x": x, "edge_index": edge_index, "W": W, "b": b}


def reference(x, edge_index, W, b):
    # GCNConv forward with norm='both', weight=True, bias=True (core layer of TricksComb)
    src = edge_index[0]
    dst = edge_index[1]
    ones = jnp.ones((src.shape[0],), dtype=jnp.float32)
    # out-degrees of source nodes, clamped to min 1
    out_deg = jnp.clip(jax.ops.segment_sum(ones, src, num_segments=N_NODES), 1.0, None)
    in_deg = jnp.clip(jax.ops.segment_sum(ones, dst, num_segments=N_NODES), 1.0, None)
    # left normalization: feat_src * out_deg^{-1/2}
    feat_src = x * (out_deg ** -0.5)[:, None]
    # linear transform
    h = feat_src @ W
    # message passing: copy_src + sum aggregation (gather by src, scatter-add by dst)
    msgs = jnp.take(h, src, axis=0)
    rst = jax.ops.segment_sum(msgs, dst, num_segments=N_NODES)
    # right normalization: rst * in_deg^{-1/2}
    rst = rst * (in_deg ** -0.5)[:, None]
    # bias
    rst = rst + b
    return rst

if __name__ == "__main__":
    import jax
    _d = setup_inputs()
    print(jax.jit(kernel)(*tuple(_d.values())))

</pallas_src>

<mosaic_0001>
#map = affine_map<(d0, d1) -> (0, 0, 0, 0)>
#map1 = affine_map<(d0, d1) -> (0)>
module attributes {stable_mosaic.version = 14 : i64} {
  func.func @deg_kernel(%arg0: i32, %arg1: i32, %arg2: memref<2x16x80x125xi32, #tpu.memory_space<hbm>>, %arg3: memref<2x16x80x125xi32, #tpu.memory_space<hbm>>, %arg4: memref<10240xf32, #tpu.memory_space<hbm>>, %arg5: memref<10240xf32, #tpu.memory_space<hbm>>, %arg6: memref<80x125xi32, #tpu.memory_space<vmem>>, %arg7: memref<128xf32, #tpu.memory_space<vmem>>, %arg8: memref<640xf32, #tpu.memory_space<vmem>>, %arg9: memref<640xf32, #tpu.memory_space<vmem>>, %arg10: memref<!tpu.dma_semaphore, #tpu.memory_space<semaphore_mem>>, %arg11: memref<10240xf32, #tpu.memory_space<vmem_shared>>) attributes {dimension_semantics = [#tpu.dimension_semantics<core_parallel>, #tpu.dimension_semantics<subcore_parallel>], iteration_bounds = array<i64: 2, 16>, scalar_prefetch = 0 : i64, scratch_operands = 6 : i64, tpu.core_type = #tpu.core_type<sc_vector_subcore>, window_params = [{transform_indices = #map}, {transform_indices = #map}, {transform_indices = #map1}, {transform_indices = #map1}]} {
    %scan3A = arith.constant 0 : i32
    %scan3A_0 = arith.constant 0 : i32
    %scan3A_1 = arith.constant 8 : i32
    %scan3A_2 = arith.addi %scan3A_0, %scan3A_1 : i32
    %scan3A_3 = arith.constant 1 : i32
    %scan3A_4 = scf.for %scan3A_79 = %scan3A_0 to %scan3A_2 step %scan3A_3 iter_args(%scan3A_80 = %scan3A) -> (i32)  : i32 {
      %broadcast_in_dim3A = arith.constant 1.000000e+00 : f32
      %broadcast_in_dim3A_81 = vector.broadcast %broadcast_in_dim3A : f32 to vector<16xf32>
      %mul3A_82 = arith.constant 16 : i32
      %mul3A_83 = arith.muli %scan3A_79, %mul3A_82 : i32
      %swap3A = arith.index_cast %mul3A_83 : i32 to index
      %swap3A_84 = tpu.vector_load %arg7[%swap3A] {strides = array<i32>} : memref<128xf32, #tpu.memory_space<vmem>>, vector<16xf32>,
      %swap3A_85 = vector.shape_cast %swap3A_84 : vector<16xf32> to vector<16xf32>
      %swap3A_86 = vector.shape_cast %broadcast_in_dim3A_81 : vector<16xf32> to vector<16xf32>
      tpu.vector_store %arg7[%swap3A], %swap3A_86 {strides = array<i32>} : memref<128xf32, #tpu.memory_space<vmem>>, vector<16xf32>,
      %scan3A_87 = arith.constant 0 : i32
      scf.yield %scan3A_87 : i32
    }
    %scan3A_5 = arith.constant 8 : i32
    %scan3A_6 = arith.constant 0 : i32
    %scan3A_7 = arith.constant 0 : i32
    %scan3A_8 = arith.constant 40 : i32
    %scan3A_9 = arith.addi %scan3A_7, %scan3A_8 : i32
    %scan3A_10 = arith.constant 1 : i32
    %scan3A_11 = scf.for %scan3A_79 = %scan3A_7 to %scan3A_9 step %scan3A_10 iter_args(%scan3A_80 = %scan3A_6) -> (i32)  : i32 {
      %broadcast_in_dim3A = arith.constant 0.000000e+00 : f32
      %broadcast_in_dim3A_81 = vector.broadcast %broadcast_in_dim3A : f32 to vector<16xf32>
      %mul3A_82 = arith.constant 16 : i32
      %mul3A_83 = arith.muli %scan3A_79, %mul3A_82 : i32
      %swap3A = arith.index_cast %mul3A_83 : i32 to index
      %swap3A_84 = tpu.vector_load %arg8[%swap3A] {strides = array<i32>} : memref<640xf32, #tpu.memory_space<vmem>>, vector<16xf32>,
      %swap3A_85 = vector.shape_cast %swap3A_84 : vector<16xf32> to vector<16xf32>
      %swap3A_86 = vector.shape_cast %broadcast_in_dim3A_81 : vector<16xf32> to vector<16xf32>
      tpu.vector_store %arg8[%swap3A], %swap3A_86 {strides = array<i32>} : memref<640xf32, #tpu.memory_space<vmem>>, vector<16xf32>,
      %scan3A_87 = arith.constant 0 : i32
      scf.yield %scan3A_87 : i32
    }
    %scan3A_12 = arith.constant 40 : i32
    %mul3A = arith.constant 640 : i32
    %mul3A_13 = arith.muli %arg1, %mul3A : i32
    "tpu.region"() ({
      %run_scoped3A = tpu.sem_alloc : memref<!tpu.dma_semaphore, #tpu.memory_space<semaphore_mem>>
      %dma_start3A = tpu.memref_slice %arg11[%mul3A_13] : memref<10240xf32, #tpu.memory_space<vmem_shared>> -> memref<640xf32, #tpu.memory_space<vmem_shared>>
      %dma_start3A_79 = tpu.memref_slice %arg11[%mul3A_13] : memref<10240xf32, #tpu.memory_space<vmem_shared>> -> memref<640xf32, #tpu.memory_space<vmem_shared>>
      tpu.enqueue_dma source(%arg8 : memref<640xf32, #tpu.memory_space<vmem>>) target(%dma_start3A_79 : memref<640xf32, #tpu.memory_space<vmem_shared>>) target_semaphore(%run_scoped3A : memref<!tpu.dma_semaphore, #tpu.memory_space<semaphore_mem>>)
      %dma_wait3A = tpu.memref_slice %arg11[%mul3A_13] : memref<10240xf32, #tpu.memory_space<vmem_shared>> -> memref<640xf32, #tpu.memory_space<vmem_shared>>
      %dma_wait3A_80 = tpu.memref_slice %arg11[%mul3A_13] : memref<10240xf32, #tpu.memory_space<vmem_shared>> -> memref<640xf32, #tpu.memory_space<vmem_shared>>
      tpu.wait_dma2 semaphore(%run_scoped3A : memref<!tpu.dma_semaphore, #tpu.memory_space<semaphore_mem>>) src(%arg8 : memref<640xf32, #tpu.memory_space<vmem>>) dst(%dma_wait3A_80 : memref<640xf32, #tpu.memory_space<vmem_shared>>)
      tpu.yield
    }) : () -> ()
    %barrier3A = arith.constant 0 : index
    tpu.barrier barrier_id(%barrier3A)
    %eq3A = arith.constant 0 : i32
    %eq3A_14 = arith.cmpi eq, %arg0, %eq3A : i32
    %convert_element_type3A = arith.extui %eq3A_14 : i1 to i32
    %cond3A = arith.constant 0 : i32
    %cond3A_15 = arith.cmpi ne, %convert_element_type3A, %cond3A : i32
    scf.if %cond3A_15 {
      %run_scoped3A = arith.constant 0 : i32
      "tpu.region"() ({
        %run_scoped3A_79 = tpu.sem_alloc : memref<!tpu.dma_semaphore, #tpu.memory_space<semaphore_mem>>
        %dma_start3A = arith.constant 0 : i32
        %dma_start3A_80 = arith.constant 0 : i32
        %dma_start3A_81 = tpu.memref_slice %arg2[%run_scoped3A, %arg1, %dma_start3A, %dma_start3A_80] : memref<2x16x80x125xi32, #tpu.memory_space<hbm>> -> memref<1x1x80x125xi32, #tpu.memory_space<hbm>>
        %dma_start3A_82 = tpu.memref_squeeze %dma_start3A_81 : memref<1x1x80x125xi32, #tpu.memory_space<hbm>> -> memref<80x125xi32, #tpu.memory_space<hbm>>
        %dma_start3A_83 = arith.constant 0 : i32
        %dma_start3A_84 = arith.constant 0 : i32
        %dma_start3A_85 = tpu.memref_slice %arg2[%run_scoped3A, %arg1, %dma_start3A_83, %dma_start3A_84] : memref<2x16x80x125xi32, #tpu.memory_space<hbm>> -> memref<1x1x80x125xi32, #tpu.memory_space<hbm>>
        %dma_start3A_86 = tpu.memref_squeeze %dma_start3A_85 : memref<1x1x80x125xi32, #tpu.memory_space<hbm>> -> memref<80x125xi32, #tpu.memory_space<hbm>>
        tpu.enqueue_dma source(%dma_start3A_86 : memref<80x125xi32, #tpu.memory_space<hbm>>) target(%arg6 : memref<80x125xi32, #tpu.memory_space<vmem>>) target_semaphore(%run_scoped3A_79 : memref<!tpu.dma_semaphore, #tpu.memory_space<semaphore_mem>>)
        %dma_wait3A = arith.constant 0 : i32
        %dma_wait3A_87 = arith.constant 0 : i32
        %dma_wait3A_88 = tpu.memref_slice %arg2[%run_scoped3A, %arg1, %dma_wait3A, %dma_wait3A_87] : memref<2x16x80x125xi32, #tpu.memory_space<hbm>> -> memref<1x1x80x125xi32, #tpu.memory_space<hbm>>
        %dma_wait3A_89 = tpu.memref_squeeze %dma_wait3A_88 : memref<1x1x80x125xi32, #tpu.memory_space<hbm>> -> memref<80x125xi32, #tpu.memory_space<hbm>>
        %dma_wait3A_90 = arith.constant 0 : i32
        %dma_wait3A_91 = arith.constant 0 : i32
        %dma_wait3A_92 = tpu.memref_slice %arg2[%run_scoped3A, %arg1, %dma_wait3A_90, %dma_wait3A_91] : memref<2x16x80x125xi32, #tpu.memory_space<hbm>> -> memref<1x1x80x125xi32, #tpu.memory_space<hbm>>
        %dma_wait3A_93 = tpu.memref_squeeze %dma_wait3A_92 : memref<1x1x80x125xi32, #tpu.memory_space<hbm>> -> memref<80x125xi32, #tpu.memory_space<hbm>>
        tpu.wait_dma2 semaphore(%run_scoped3A_79 : memref<!tpu.dma_semaphore, #tpu.memory_space<semaphore_mem>>) src(%dma_wait3A_93 : memref<80x125xi32, #tpu.memory_space<hbm>>) dst(%arg6 : memref<80x125xi32, #tpu.memory_space<vmem>>)
        tpu.yield
      }) : () -> ()
    } else {
    }
    %eq3A_16 = arith.constant 1 : i32
    %eq3A_17 = arith.cmpi eq, %arg0, %eq3A_16 : i32
    %convert_element_type3A_18 = arith.extui %eq3A_17 : i1 to i32
    %cond3A_19 = arith.constant 0 : i32
    %cond3A_20 = arith.cmpi ne, %convert_element_type3A_18, %cond3A_19 : i32
    scf.if %cond3A_20 {
      %run_scoped3A = arith.constant 0 : i32
      "tpu.region"() ({
        %run_scoped3A_79 = tpu.sem_alloc : memref<!tpu.dma_semaphore, #tpu.memory_space<semaphore_mem>>
        %dma_start3A = arith.constant 0 : i32
        %dma_start3A_80 = arith.constant 0 : i32
        %dma_start3A_81 = tpu.memref_slice %arg3[%run_scoped3A, %arg1, %dma_start3A, %dma_start3A_80] : memref<2x16x80x125xi32, #tpu.memory_space<hbm>> -> memref<1x1x80x125xi32, #tpu.memory_space<hbm>>
        %dma_start3A_82 = tpu.memref_squeeze %dma_start3A_81 : memref<1x1x80x125xi32, #tpu.memory_space<hbm>> -> memref<80x125xi32, #tpu.memory_space<hbm>>
        %dma_start3A_83 = arith.constant 0 : i32
        %dma_start3A_84 = arith.constant 0 : i32
        %dma_start3A_85 = tpu.memref_slice %arg3[%run_scoped3A, %arg1, %dma_start3A_83, %dma_start3A_84] : memref<2x16x80x125xi32, #tpu.memory_space<hbm>> -> memref<1x1x80x125xi32, #tpu.memory_space<hbm>>
        %dma_start3A_86 = tpu.memref_squeeze %dma_start3A_85 : memref<1x1x80x125xi32, #tpu.memory_space<hbm>> -> memref<80x125xi32, #tpu.memory_space<hbm>>
        tpu.enqueue_dma source(%dma_start3A_86 : memref<80x125xi32, #tpu.memory_space<hbm>>) target(%arg6 : memref<80x125xi32, #tpu.memory_space<vmem>>) target_semaphore(%run_scoped3A_79 : memref<!tpu.dma_semaphore, #tpu.memory_space<semaphore_mem>>)
        %dma_wait3A = arith.constant 0 : i32
        %dma_wait3A_87 = arith.constant 0 : i32
        %dma_wait3A_88 = tpu.memref_slice %arg3[%run_scoped3A, %arg1, %dma_wait3A, %dma_wait3A_87] : memref<2x16x80x125xi32, #tpu.memory_space<hbm>> -> memref<1x1x80x125xi32, #tpu.memory_space<hbm>>
        %dma_wait3A_89 = tpu.memref_squeeze %dma_wait3A_88 : memref<1x1x80x125xi32, #tpu.memory_space<hbm>> -> memref<80x125xi32, #tpu.memory_space<hbm>>
        %dma_wait3A_90 = arith.constant 0 : i32
        %dma_wait3A_91 = arith.constant 0 : i32
        %dma_wait3A_92 = tpu.memref_slice %arg3[%run_scoped3A, %arg1, %dma_wait3A_90, %dma_wait3A_91] : memref<2x16x80x125xi32, #tpu.memory_space<hbm>> -> memref<1x1x80x125xi32, #tpu.memory_space<hbm>>
        %dma_wait3A_93 = tpu.memref_squeeze %dma_wait3A_92 : memref<1x1x80x125xi32, #tpu.memory_space<hbm>> -> memref<80x125xi32, #tpu.memory_space<hbm>>
        tpu.wait_dma2 semaphore(%run_scoped3A_79 : memref<!tpu.dma_semaphore, #tpu.memory_space<semaphore_mem>>) src(%dma_wait3A_93 : memref<80x125xi32, #tpu.memory_space<hbm>>) dst(%arg6 : memref<80x125xi32, #tpu.memory_space<vmem>>)
        tpu.yield
      }) : () -> ()
    } else {
    }
    %scan3A_21 = arith.constant 0 : i32
    %scan3A_22 = arith.constant 0 : i32
    %scan3A_23 = arith.constant 80 : i32
    %scan3A_24 = arith.addi %scan3A_22, %scan3A_23 : i32
    %scan3A_25 = arith.constant 1 : i32
    %scan3A_26 = scf.for %scan3A_79 = %scan3A_22 to %scan3A_24 step %scan3A_25 iter_args(%scan3A_80 = %scan3A_21) -> (i32)  : i32 {
      %dma_start3A = arith.constant 0 : i32
      %dma_start3A_81 = tpu.memref_slice %arg7[%dma_start3A] : memref<128xf32, #tpu.memory_space<vmem>> -> memref<125xf32, #tpu.memory_space<vmem>>
      %dma_start3A_82 = arith.constant 0 : i32
      %dma_start3A_83 = tpu.memref_slice %arg6[%scan3A_79, %dma_start3A_82] : memref<80x125xi32, #tpu.memory_space<vmem>> -> memref<1x125xi32, #tpu.memory_space<vmem>>
      %dma_start3A_84 = tpu.memref_squeeze %dma_start3A_83 : memref<1x125xi32, #tpu.memory_space<vmem>> -> memref<125xi32, #tpu.memory_space<vmem>>
      %dma_start3A_85 = arith.constant 0 : i32
      %dma_start3A_86 = tpu.memref_slice %arg11[%dma_start3A_85] : memref<10240xf32, #tpu.memory_space<vmem_shared>> -> memref<10240xf32, #tpu.memory_space<vmem_shared>>
      tpu.enqueue_indirect_dma source(%dma_start3A_81 : memref<125xf32, #tpu.memory_space<vmem>>) target(%dma_start3A_86 : memref<10240xf32, #tpu.memory_space<vmem_shared>>) offsets(%dma_start3A_84 : memref<125xi32, #tpu.memory_space<vmem>>) semaphore(%arg10 : memref<!tpu.dma_semaphore, #tpu.memory_space<semaphore_mem>>) {add = true}
      %scan3A_87 = arith.constant 0 : i32
      scf.yield %scan3A_87 : i32
    }
    %scan3A_27 = arith.constant 80 : i32
    %scan3A_28 = arith.constant 0 : i32
    %scan3A_29 = arith.constant 0 : i32
    %scan3A_30 = arith.constant 80 : i32
    %scan3A_31 = arith.addi %scan3A_29, %scan3A_30 : i32
    %scan3A_32 = arith.constant 1 : i32
    %scan3A_33 = scf.for %scan3A_79 = %scan3A_29 to %scan3A_31 step %scan3A_32 iter_args(%scan3A_80 = %scan3A_28) -> (i32)  : i32 {
      %dma_wait3A = arith.constant 0 : i32
      %dma_wait3A_81 = tpu.memref_slice %arg7[%dma_wait3A] : memref<128xf32, #tpu.memory_space<vmem>> -> memref<125xf32, #tpu.memory_space<vmem>>
      %dma_wait3A_82 = arith.constant 0 : i32
      %dma_wait3A_83 = tpu.memref_slice %arg6[%scan3A_79, %dma_wait3A_82] : memref<80x125xi32, #tpu.memory_space<vmem>> -> memref<1x125xi32, #tpu.memory_space<vmem>>
      %dma_wait3A_84 = tpu.memref_squeeze %dma_wait3A_83 : memref<1x125xi32, #tpu.memory_space<vmem>> -> memref<125xi32, #tpu.memory_space<vmem>>
      %dma_wait3A_85 = arith.constant 0 : i32
      %dma_wait3A_86 = tpu.memref_slice %arg11[%dma_wait3A_85] : memref<10240xf32, #tpu.memory_space<vmem_shared>> -> memref<10240xf32, #tpu.memory_space<vmem_shared>>
      tpu.wait_indirect_dma semaphore(%arg10 : memref<!tpu.dma_semaphore, #tpu.memory_space<semaphore_mem>>) src(%dma_wait3A_81 : memref<125xf32, #tpu.memory_space<vmem>>) dst(%dma_wait3A_86 : memref<10240xf32, #tpu.memory_space<vmem_shared>>)
      %scan3A_87 = arith.constant 0 : i32
      scf.yield %scan3A_87 : i32
    }
    %scan3A_34 = arith.constant 80 : i32
    %eq3A_35 = arith.constant 0 : i32
    %eq3A_36 = arith.cmpi eq, %arg0, %eq3A_35 : i32
    %convert_element_type3A_37 = arith.extui %eq3A_36 : i1 to i32
    %cond3A_38 = arith.constant 0 : i32
    %cond3A_39 = arith.cmpi ne, %convert_element_type3A_37, %cond3A_38 : i32
    scf.if %cond3A_39 {
      %run_scoped3A = arith.constant 1 : i32
      "tpu.region"() ({
        %run_scoped3A_79 = tpu.sem_alloc : memref<!tpu.dma_semaphore, #tpu.memory_space<semaphore_mem>>
        %dma_start3A = arith.constant 0 : i32
        %dma_start3A_80 = arith.constant 0 : i32
        %dma_start3A_81 = tpu.memref_slice %arg2[%run_scoped3A, %arg1, %dma_start3A, %dma_start3A_80] : memref<2x16x80x125xi32, #tpu.memory_space<hbm>> -> memref<1x1x80x125xi32, #tpu.memory_space<hbm>>
        %dma_start3A_82 = tpu.memref_squeeze %dma_start3A_81 : memref<1x1x80x125xi32, #tpu.memory_space<hbm>> -> memref<80x125xi32, #tpu.memory_space<hbm>>
        %dma_start3A_83 = arith.constant 0 : i32
        %dma_start3A_84 = arith.constant 0 : i32
        %dma_start3A_85 = tpu.memref_slice %arg2[%run_scoped3A, %arg1, %dma_start3A_83, %dma_start3A_84] : memref<2x16x80x125xi32, #tpu.memory_space<hbm>> -> memref<1x1x80x125xi32, #tpu.memory_space<hbm>>
        %dma_start3A_86 = tpu.memref_squeeze %dma_start3A_85 : memref<1x1x80x125xi32, #tpu.memory_space<hbm>> -> memref<80x125xi32, #tpu.memory_space<hbm>>
        tpu.enqueue_dma source(%dma_start3A_86 : memref<80x125xi32, #tpu.memory_space<hbm>>) target(%arg6 : memref<80x125xi32, #tpu.memory_space<vmem>>) target_semaphore(%run_scoped3A_79 : memref<!tpu.dma_semaphore, #tpu.memory_space<semaphore_mem>>)
        %dma_wait3A = arith.constant 0 : i32
        %dma_wait3A_87 = arith.constant 0 : i32
        %dma_wait3A_88 = tpu.memref_slice %arg2[%run_scoped3A, %arg1, %dma_wait3A, %dma_wait3A_87] : memref<2x16x80x125xi32, #tpu.memory_space<hbm>> -> memref<1x1x80x125xi32, #tpu.memory_space<hbm>>
        %dma_wait3A_89 = tpu.memref_squeeze %dma_wait3A_88 : memref<1x1x80x125xi32, #tpu.memory_space<hbm>> -> memref<80x125xi32, #tpu.memory_space<hbm>>
        %dma_wait3A_90 = arith.constant 0 : i32
        %dma_wait3A_91 = arith.constant 0 : i32
        %dma_wait3A_92 = tpu.memref_slice %arg2[%run_scoped3A, %arg1, %dma_wait3A_90, %dma_wait3A_91] : memref<2x16x80x125xi32, #tpu.memory_space<hbm>> -> memref<1x1x80x125xi32, #tpu.memory_space<hbm>>
        %dma_wait3A_93 = tpu.memref_squeeze %dma_wait3A_92 : memref<1x1x80x125xi32, #tpu.memory_space<hbm>> -> memref<80x125xi32, #tpu.memory_space<hbm>>
        tpu.wait_dma2 semaphore(%run_scoped3A_79 : memref<!tpu.dma_semaphore, #tpu.memory_space<semaphore_mem>>) src(%dma_wait3A_93 : memref<80x125xi32, #tpu.memory_space<hbm>>) dst(%arg6 : memref<80x125xi32, #tpu.memory_space<vmem>>)
        tpu.yield
      }) : () -> ()
    } else {
    }
    %eq3A_40 = arith.constant 1 : i32
    %eq3A_41 = arith.cmpi eq, %arg0, %eq3A_40 : i32
    %convert_element_type3A_42 = arith.extui %eq3A_41 : i1 to i32
    %cond3A_43 = arith.constant 0 : i32
    %cond3A_44 = arith.cmpi ne, %convert_element_type3A_42, %cond3A_43 : i32
    scf.if %cond3A_44 {
      %run_scoped3A = arith.constant 1 : i32
      "tpu.region"() ({
        %run_scoped3A_79 = tpu.sem_alloc : memref<!tpu.dma_semaphore, #tpu.memory_space<semaphore_mem>>
        %dma_start3A = arith.constant 0 : i32
        %dma_start3A_80 = arith.constant 0 : i32
        %dma_start3A_81 = tpu.memref_slice %arg3[%run_scoped3A, %arg1, %dma_start3A, %dma_start3A_80] : memref<2x16x80x125xi32, #tpu.memory_space<hbm>> -> memref<1x1x80x125xi32, #tpu.memory_space<hbm>>
        %dma_start3A_82 = tpu.memref_squeeze %dma_start3A_81 : memref<1x1x80x125xi32, #tpu.memory_space<hbm>> -> memref<80x125xi32, #tpu.memory_space<hbm>>
        %dma_start3A_83 = arith.constant 0 : i32
        %dma_start3A_84 = arith.constant 0 : i32
        %dma_start3A_85 = tpu.memref_slice %arg3[%run_scoped3A, %arg1, %dma_start3A_83, %dma_start3A_84] : memref<2x16x80x125xi32, #tpu.memory_space<hbm>> -> memref<1x1x80x125xi32, #tpu.memory_space<hbm>>
        %dma_start3A_86 = tpu.memref_squeeze %dma_start3A_85 : memref<1x1x80x125xi32, #tpu.memory_space<hbm>> -> memref<80x125xi32, #tpu.memory_space<hbm>>
        tpu.enqueue_dma source(%dma_start3A_86 : memref<80x125xi32, #tpu.memory_space<hbm>>) target(%arg6 : memref<80x125xi32, #tpu.memory_space<vmem>>) target_semaphore(%run_scoped3A_79 : memref<!tpu.dma_semaphore, #tpu.memory_space<semaphore_mem>>)
        %dma_wait3A = arith.constant 0 : i32
        %dma_wait3A_87 = arith.constant 0 : i32
        %dma_wait3A_88 = tpu.memref_slice %arg3[%run_scoped3A, %arg1, %dma_wait3A, %dma_wait3A_87] : memref<2x16x80x125xi32, #tpu.memory_space<hbm>> -> memref<1x1x80x125xi32, #tpu.memory_space<hbm>>
        %dma_wait3A_89 = tpu.memref_squeeze %dma_wait3A_88 : memref<1x1x80x125xi32, #tpu.memory_space<hbm>> -> memref<80x125xi32, #tpu.memory_space<hbm>>
        %dma_wait3A_90 = arith.constant 0 : i32
        %dma_wait3A_91 = arith.constant 0 : i32
        %dma_wait3A_92 = tpu.memref_slice %arg3[%run_scoped3A, %arg1, %dma_wait3A_90, %dma_wait3A_91] : memref<2x16x80x125xi32, #tpu.memory_space<hbm>> -> memref<1x1x80x125xi32, #tpu.memory_space<hbm>>
        %dma_wait3A_93 = tpu.memref_squeeze %dma_wait3A_92 : memref<1x1x80x125xi32, #tpu.memory_space<hbm>> -> memref<80x125xi32, #tpu.memory_space<hbm>>
        tpu.wait_dma2 semaphore(%run_scoped3A_79 : memref<!tpu.dma_semaphore, #tpu.memory_space<semaphore_mem>>) src(%dma_wait3A_93 : memref<80x125xi32, #tpu.memory_space<hbm>>) dst(%arg6 : memref<80x125xi32, #tpu.memory_space<vmem>>)
        tpu.yield
      }) : () -> ()
    } else {
    }
    %scan3A_45 = arith.constant 0 : i32
    %scan3A_46 = arith.constant 0 : i32
    %scan3A_47 = arith.constant 80 : i32
    %scan3A_48 = arith.addi %scan3A_46, %scan3A_47 : i32
    %scan3A_49 = arith.constant 1 : i32
    %scan3A_50 = scf.for %scan3A_79 = %scan3A_46 to %scan3A_48 step %scan3A_49 iter_args(%scan3A_80 = %scan3A_45) -> (i32)  : i32 {
      %dma_start3A = arith.constant 0 : i32
      %dma_start3A_81 = tpu.memref_slice %arg7[%dma_start3A] : memref<128xf32, #tpu.memory_space<vmem>> -> memref<125xf32, #tpu.memory_space<vmem>>
      %dma_start3A_82 = arith.constant 0 : i32
      %dma_start3A_83 = tpu.memref_slice %arg6[%scan3A_79, %dma_start3A_82] : memref<80x125xi32, #tpu.memory_space<vmem>> -> memref<1x125xi32, #tpu.memory_space<vmem>>
      %dma_start3A_84 = tpu.memref_squeeze %dma_start3A_83 : memref<1x125xi32, #tpu.memory_space<vmem>> -> memref<125xi32, #tpu.memory_space<vmem>>
      %dma_start3A_85 = arith.constant 0 : i32
      %dma_start3A_86 = tpu.memref_slice %arg11[%dma_start3A_85] : memref<10240xf32, #tpu.memory_space<vmem_shared>> -> memref<10240xf32, #tpu.memory_space<vmem_shared>>
      tpu.enqueue_indirect_dma source(%dma_start3A_81 : memref<125xf32, #tpu.memory_space<vmem>>) target(%dma_start3A_86 : memref<10240xf32, #tpu.memory_space<vmem_shared>>) offsets(%dma_start3A_84 : memref<125xi32, #tpu.memory_space<vmem>>) semaphore(%arg10 : memref<!tpu.dma_semaphore, #tpu.memory_space<semaphore_mem>>) {add = true}
      %scan3A_87 = arith.constant 0 : i32
      scf.yield %scan3A_87 : i32
    }
    %scan3A_51 = arith.constant 80 : i32
    %scan3A_52 = arith.constant 0 : i32
    %scan3A_53 = arith.constant 0 : i32
    %scan3A_54 = arith.constant 80 : i32
    %scan3A_55 = arith.addi %scan3A_53, %scan3A_54 : i32
    %scan3A_56 = arith.constant 1 : i32
    %scan3A_57 = scf.for %scan3A_79 = %scan3A_53 to %scan3A_55 step %scan3A_56 iter_args(%scan3A_80 = %scan3A_52) -> (i32)  : i32 {
      %dma_wait3A = arith.constant 0 : i32
      %dma_wait3A_81 = tpu.memref_slice %arg7[%dma_wait3A] : memref<128xf32, #tpu.memory_space<vmem>> -> memref<125xf32, #tpu.memory_space<vmem>>
      %dma_wait3A_82 = arith.constant 0 : i32
      %dma_wait3A_83 = tpu.memref_slice %arg6[%scan3A_79, %dma_wait3A_82] : memref<80x125xi32, #tpu.memory_space<vmem>> -> memref<1x125xi32, #tpu.memory_space<vmem>>
      %dma_wait3A_84 = tpu.memref_squeeze %dma_wait3A_83 : memref<1x125xi32, #tpu.memory_space<vmem>> -> memref<125xi32, #tpu.memory_space<vmem>>
      %dma_wait3A_85 = arith.constant 0 : i32
      %dma_wait3A_86 = tpu.memref_slice %arg11[%dma_wait3A_85] : memref<10240xf32, #tpu.memory_space<vmem_shared>> -> memref<10240xf32, #tpu.memory_space<vmem_shared>>
      tpu.wait_indirect_dma semaphore(%arg10 : memref<!tpu.dma_semaphore, #tpu.memory_space<semaphore_mem>>) src(%dma_wait3A_81 : memref<125xf32, #tpu.memory_space<vmem>>) dst(%dma_wait3A_86 : memref<10240xf32, #tpu.memory_space<vmem_shared>>)
      %scan3A_87 = arith.constant 0 : i32
      scf.yield %scan3A_87 : i32
    }
    %scan3A_58 = arith.constant 80 : i32
    %barrier3A_59 = arith.constant 0 : index
    tpu.barrier barrier_id(%barrier3A_59)
    %mul3A_60 = arith.constant 640 : i32
    %mul3A_61 = arith.muli %arg1, %mul3A_60 : i32
    "tpu.region"() ({
      %run_scoped3A = tpu.sem_alloc : memref<!tpu.dma_semaphore, #tpu.memory_space<semaphore_mem>>
      %dma_start3A = tpu.memref_slice %arg11[%mul3A_61] : memref<10240xf32, #tpu.memory_space<vmem_shared>> -> memref<640xf32, #tpu.memory_space<vmem_shared>>
      %dma_start3A_79 = tpu.memref_slice %arg11[%mul3A_61] : memref<10240xf32, #tpu.memory_space<vmem_shared>> -> memref<640xf32, #tpu.memory_space<vmem_shared>>
      tpu.enqueue_dma source(%dma_start3A_79 : memref<640xf32, #tpu.memory_space<vmem_shared>>) target(%arg9 : memref<640xf32, #tpu.memory_space<vmem>>) target_semaphore(%run_scoped3A : memref<!tpu.dma_semaphore, #tpu.memory_space<semaphore_mem>>)
      %dma_wait3A = tpu.memref_slice %arg11[%mul3A_61] : memref<10240xf32, #tpu.memory_space<vmem_shared>> -> memref<640xf32, #tpu.memory_space<vmem_shared>>
      %dma_wait3A_80 = tpu.memref_slice %arg11[%mul3A_61] : memref<10240xf32, #tpu.memory_space<vmem_shared>> -> memref<640xf32, #tpu.memory_space<vmem_shared>>
      tpu.wait_dma2 semaphore(%run_scoped3A : memref<!tpu.dma_semaphore, #tpu.memory_space<semaphore_mem>>) src(%dma_wait3A_80 : memref<640xf32, #tpu.memory_space<vmem_shared>>) dst(%arg9 : memref<640xf32, #tpu.memory_space<vmem>>)
      tpu.yield
    }) : () -> ()
    %scan3A_62 = arith.constant 0 : i32
    %scan3A_63 = arith.constant 0 : i32
    %scan3A_64 = arith.constant 40 : i32
    %scan3A_65 = arith.addi %scan3A_63, %scan3A_64 : i32
    %scan3A_66 = arith.constant 1 : i32
    %scan3A_67 = scf.for %scan3A_79 = %scan3A_63 to %scan3A_65 step %scan3A_66 iter_args(%scan3A_80 = %scan3A_62) -> (i32)  : i32 {
      %mul3A_81 = arith.constant 16 : i32
      %mul3A_82 = arith.muli %scan3A_79, %mul3A_81 : i32
      %get3A = arith.index_cast %mul3A_82 : i32 to index
      %get3A_83 = tpu.vector_load %arg9[%get3A] {strides = array<i32>} : memref<640xf32, #tpu.memory_space<vmem>>, vector<16xf32>,
      %get3A_84 = vector.shape_cast %get3A_83 : vector<16xf32> to vector<16xf32>
      %max3A = arith.constant 1.000000e+00 : f32
      %max3A_85 = vector.broadcast %max3A : f32 to vector<16xf32>
      %max3A_86 = arith.maximumf %get3A_84, %max3A_85 : vector<16xf32>
      %bitcast_convert_type3A = tpu.bitcast %max3A_86 : vector<16xf32> -> vector<16xi32>
      %shift_right_logical3A = arith.constant 1 : i32
      %shift_right_logical3A_87 = vector.broadcast %shift_right_logical3A : i32 to vector<16xi32>
      %shift_right_logical3A_88 = arith.shrui %bitcast_convert_type3A, %shift_right_logical3A_87 : vector<16xi32>
      %sub3A = arith.constant 1597463007 : i32
      %sub3A_89 = vector.broadcast %sub3A : i32 to vector<16xi32>
      %sub3A_90 = arith.subi %sub3A_89, %shift_right_logical3A_88 : vector<16xi32>
      %bitcast_convert_type3A_91 = tpu.bitcast %sub3A_90 : vector<16xi32> -> vector<16xf32>
      %mul3A_92 = arith.constant 5.000000e-01 : f32
      %mul3A_93 = vector.broadcast %mul3A_92 : f32 to vector<16xf32>
      %mul3A_94 = arith.mulf %mul3A_93, %max3A_86 : vector<16xf32>
      %mul3A_95 = arith.mulf %mul3A_94, %bitcast_convert_type3A_91 : vector<16xf32>
      %mul3A_96 = arith.mulf %mul3A_95, %bitcast_convert_type3A_91 : vector<16xf32>
      %sub3A_97 = arith.constant 1.500000e+00 : f32
      %sub3A_98 = vector.broadcast %sub3A_97 : f32 to vector<16xf32>
      %sub3A_99 = arith.subf %sub3A_98, %mul3A_96 : vector<16xf32>
      %mul3A_100 = arith.mulf %bitcast_convert_type3A_91, %sub3A_99 : vector<16xf32>
      %mul3A_101 = arith.constant 5.000000e-01 : f32
      %mul3A_102 = vector.broadcast %mul3A_101 : f32 to vector<16xf32>
      %mul3A_103 = arith.mulf %mul3A_102, %max3A_86 : vector<16xf32>
      %mul3A_104 = arith.mulf %mul3A_103, %mul3A_100 : vector<16xf32>
      %mul3A_105 = arith.mulf %mul3A_104, %mul3A_100 : vector<16xf32>
      %sub3A_106 = arith.constant 1.500000e+00 : f32
      %sub3A_107 = vector.broadcast %sub3A_106 : f32 to vector<16xf32>
      %sub3A_108 = arith.subf %sub3A_107, %mul3A_105 : vector<16xf32>
      %mul3A_109 = arith.mulf %mul3A_100, %sub3A_108 : vector<16xf32>
      %mul3A_110 = arith.constant 5.000000e-01 : f32
      %mul3A_111 = vector.broadcast %mul3A_110 : f32 to vector<16xf32>
      %mul3A_112 = arith.mulf %mul3A_111, %max3A_86 : vector<16xf32>
      %mul3A_113 = arith.mulf %mul3A_112, %mul3A_109 : vector<16xf32>
      %mul3A_114 = arith.mulf %mul3A_113, %mul3A_109 : vector<16xf32>
      %sub3A_115 = arith.constant 1.500000e+00 : f32
      %sub3A_116 = vector.broadcast %sub3A_115 : f32 to vector<16xf32>
      %sub3A_117 = arith.subf %sub3A_116, %mul3A_114 : vector<16xf32>
      %mul3A_118 = arith.mulf %mul3A_109, %sub3A_117 : vector<16xf32>
      %mul3A_119 = arith.constant 16 : i32
      %mul3A_120 = arith.muli %scan3A_79, %mul3A_119 : i32
      %swap3A = arith.index_cast %mul3A_120 : i32 to index
      %swap3A_121 = tpu.vector_load %arg9[%swap3A] {strides = array<i32>} : memref<640xf32, #tpu.memory_space<vmem>>, vector<16xf32>,
      %swap3A_122 = vector.shape_cast %swap3A_121 : vector<16xf32> to vector<16xf32>
      %swap3A_123 = vector.shape_cast %mul3A_118 : vector<16xf32> to vector<16xf32>
      tpu.vector_store %arg9[%swap3A], %swap3A_123 {strides = array<i32>} : memref<640xf32, #tpu.memory_space<vmem>>, vector<16xf32>,
      %scan3A_124 = arith.constant 0 : i32
      scf.yield %scan3A_124 : i32
    }
    %scan3A_68 = arith.constant 40 : i32
    %eq3A_69 = arith.constant 0 : i32
    %eq3A_70 = arith.cmpi eq, %arg0, %eq3A_69 : i32
    %convert_element_type3A_71 = arith.extui %eq3A_70 : i1 to i32
    %cond3A_72 = arith.constant 0 : i32
    %cond3A_73 = arith.cmpi ne, %convert_element_type3A_71, %cond3A_72 : i32
    scf.if %cond3A_73 {
      %mul3A_79 = arith.constant 640 : i32
      %mul3A_80 = arith.muli %arg1, %mul3A_79 : i32
      "tpu.region"() ({
        %run_scoped3A = tpu.sem_alloc : memref<!tpu.dma_semaphore, #tpu.memory_space<semaphore_mem>>
        %dma_start3A = tpu.memref_slice %arg4[%mul3A_80] : memref<10240xf32, #tpu.memory_space<hbm>> -> memref<640xf32, #tpu.memory_space<hbm>>
        %dma_start3A_81 = tpu.memref_slice %arg4[%mul3A_80] : memref<10240xf32, #tpu.memory_space<hbm>> -> memref<640xf32, #tpu.memory_space<hbm>>
        tpu.enqueue_dma source(%arg9 : memref<640xf32, #tpu.memory_space<vmem>>) target(%dma_start3A_81 : memref<640xf32, #tpu.memory_space<hbm>>) target_semaphore(%run_scoped3A : memref<!tpu.dma_semaphore, #tpu.memory_space<semaphore_mem>>)
        %dma_wait3A = tpu.memref_slice %arg4[%mul3A_80] : memref<10240xf32, #tpu.memory_space<hbm>> -> memref<640xf32, #tpu.memory_space<hbm>>
        %dma_wait3A_82 = tpu.memref_slice %arg4[%mul3A_80] : memref<10240xf32, #tpu.memory_space<hbm>> -> memref<640xf32, #tpu.memory_space<hbm>>
        tpu.wait_dma2 semaphore(%run_scoped3A : memref<!tpu.dma_semaphore, #tpu.memory_space<semaphore_mem>>) src(%arg9 : memref<640xf32, #tpu.memory_space<vmem>>) dst(%dma_wait3A_82 : memref<640xf32, #tpu.memory_space<hbm>>)
        tpu.yield
      }) : () -> ()
    } else {
    }
    %eq3A_74 = arith.constant 1 : i32
    %eq3A_75 = arith.cmpi eq, %arg0, %eq3A_74 : i32
    %convert_element_type3A_76 = arith.extui %eq3A_75 : i1 to i32
    %cond3A_77 = arith.constant 0 : i32
    %cond3A_78 = arith.cmpi ne, %convert_element_type3A_76, %cond3A_77 : i32
    scf.if %cond3A_78 {
      %mul3A_79 = arith.constant 640 : i32
      %mul3A_80 = arith.muli %arg1, %mul3A_79 : i32
      "tpu.region"() ({
        %run_scoped3A = tpu.sem_alloc : memref<!tpu.dma_semaphore, #tpu.memory_space<semaphore_mem>>
        %dma_start3A = tpu.memref_slice %arg5[%mul3A_80] : memref<10240xf32, #tpu.memory_space<hbm>> -> memref<640xf32, #tpu.memory_space<hbm>>
        %dma_start3A_81 = tpu.memref_slice %arg5[%mul3A_80] : memref<10240xf32, #tpu.memory_space<hbm>> -> memref<640xf32, #tpu.memory_space<hbm>>
        tpu.enqueue_dma source(%arg9 : memref<640xf32, #tpu.memory_space<vmem>>) target(%dma_start3A_81 : memref<640xf32, #tpu.memory_space<hbm>>) target_semaphore(%run_scoped3A : memref<!tpu.dma_semaphore, #tpu.memory_space<semaphore_mem>>)
        %dma_wait3A = tpu.memref_slice %arg5[%mul3A_80] : memref<10240xf32, #tpu.memory_space<hbm>> -> memref<640xf32, #tpu.memory_space<hbm>>
        %dma_wait3A_82 = tpu.memref_slice %arg5[%mul3A_80] : memref<10240xf32, #tpu.memory_space<hbm>> -> memref<640xf32, #tpu.memory_space<hbm>>
        tpu.wait_dma2 semaphore(%run_scoped3A : memref<!tpu.dma_semaphore, #tpu.memory_space<semaphore_mem>>) src(%arg9 : memref<640xf32, #tpu.memory_space<vmem>>) dst(%dma_wait3A_82 : memref<640xf32, #tpu.memory_space<hbm>>)
        tpu.yield
      }) : () -> ()
    } else {
    }
    return
  }
}

#map = affine_map<(d0, d1) -> (0, 0)>
#map1 = affine_map<(d0, d1) -> (0, 0, 0, 0)>
#map2 = affine_map<(d0, d1) -> (0, 0, 0)>
module attributes {stable_mosaic.version = 14 : i64} {
  func.func @agg_kernel(%arg0: i32, %arg1: i32, %arg2: memref<10000x128xf32, #tpu.memory_space<hbm>>, %arg3: memref<2x16x80x125xi32, #tpu.memory_space<hbm>>, %arg4: memref<2x16x80x125xi32, #tpu.memory_space<hbm>>, %arg5: memref<2x10240x128xf32, #tpu.memory_space<hbm>>, %arg6: memref<40x125xi32, #tpu.memory_space<vmem>>, %arg7: memref<40x125xi32, #tpu.memory_space<vmem>>, %arg8: memref<125x128xf32, #tpu.memory_space<vmem>>, %arg9: memref<125x128xf32, #tpu.memory_space<vmem>>, %arg10: memref<!tpu.dma_semaphore, #tpu.memory_space<semaphore_mem>>, %arg11: memref<!tpu.dma_semaphore, #tpu.memory_space<semaphore_mem>>, %arg12: memref<10240x128xf32, #tpu.memory_space<vmem_shared>>) attributes {dimension_semantics = [#tpu.dimension_semantics<core_parallel>, #tpu.dimension_semantics<subcore_parallel>], iteration_bounds = array<i64: 2, 16>, scalar_prefetch = 0 : i64, scratch_operands = 7 : i64, tpu.core_type = #tpu.core_type<sc_vector_subcore>, window_params = [{transform_indices = #map}, {transform_indices = #map1}, {transform_indices = #map1}, {transform_indices = #map2}]} {
    %scan3A = arith.constant 0 : i32
    %scan3A_0 = arith.constant 0 : i32
    %scan3A_1 = arith.constant 125 : i32
    %scan3A_2 = arith.addi %scan3A_0, %scan3A_1 : i32
    %scan3A_3 = arith.constant 1 : i32
    %scan3A_4 = scf.for %scan3A_64 = %scan3A_0 to %scan3A_2 step %scan3A_3 iter_args(%scan3A_65 = %scan3A) -> (i32)  : i32 {
      %broadcast_in_dim3A = arith.constant 0.000000e+00 : f32
      %broadcast_in_dim3A_66 = vector.broadcast %broadcast_in_dim3A : f32 to vector<16xf32>
      %swap3A = arith.index_cast %scan3A_64 : i32 to index
      %swap3A_67 = arith.constant 0 : index
      %swap3A_68 = tpu.vector_load %arg8[%swap3A, %swap3A_67] {strides = array<i32>} : memref<125x128xf32, #tpu.memory_space<vmem>>, vector<1x16xf32>,
      %swap3A_69 = vector.shape_cast %swap3A_68 : vector<1x16xf32> to vector<16xf32>
      %swap3A_70 = vector.shape_cast %broadcast_in_dim3A_66 : vector<16xf32> to vector<1x16xf32>
      tpu.vector_store %arg8[%swap3A, %swap3A_67], %swap3A_70 {strides = array<i32>} : memref<125x128xf32, #tpu.memory_space<vmem>>, vector<1x16xf32>,
      %broadcast_in_dim3A_71 = arith.constant 0.000000e+00 : f32
      %broadcast_in_dim3A_72 = vector.broadcast %broadcast_in_dim3A_71 : f32 to vector<16xf32>
      %swap3A_73 = arith.index_cast %scan3A_64 : i32 to index
      %swap3A_74 = arith.constant 16 : index
      %swap3A_75 = tpu.vector_load %arg8[%swap3A_73, %swap3A_74] {strides = array<i32>} : memref<125x128xf32, #tpu.memory_space<vmem>>, vector<1x16xf32>,
      %swap3A_76 = vector.shape_cast %swap3A_75 : vector<1x16xf32> to vector<16xf32>
      %swap3A_77 = vector.shape_cast %broadcast_in_dim3A_72 : vector<16xf32> to vector<1x16xf32>
      tpu.vector_store %arg8[%swap3A_73, %swap3A_74], %swap3A_77 {strides = array<i32>} : memref<125x128xf32, #tpu.memory_space<vmem>>, vector<1x16xf32>,
      %broadcast_in_dim3A_78 = arith.constant 0.000000e+00 : f32
      %broadcast_in_dim3A_79 = vector.broadcast %broadcast_in_dim3A_78 : f32 to vector<16xf32>
      %swap3A_80 = arith.index_cast %scan3A_64 : i32 to index
      %swap3A_81 = arith.constant 32 : index
      %swap3A_82 = tpu.vector_load %arg8[%swap3A_80, %swap3A_81] {strides = array<i32>} : memref<125x128xf32, #tpu.memory_space<vmem>>, vector<1x16xf32>,
      %swap3A_83 = vector.shape_cast %swap3A_82 : vector<1x16xf32> to vector<16xf32>
      %swap3A_84 = vector.shape_cast %broadcast_in_dim3A_79 : vector<16xf32> to vector<1x16xf32>
      tpu.vector_store %arg8[%swap3A_80, %swap3A_81], %swap3A_84 {strides = array<i32>} : memref<125x128xf32, #tpu.memory_space<vmem>>, vector<1x16xf32>,
      %broadcast_in_dim3A_85 = arith.constant 0.000000e+00 : f32
      %broadcast_in_dim3A_86 = vector.broadcast %broadcast_in_dim3A_85 : f32 to vector<16xf32>
      %swap3A_87 = arith.index_cast %scan3A_64 : i32 to index
      %swap3A_88 = arith.constant 48 : index
      %swap3A_89 = tpu.vector_load %arg8[%swap3A_87, %swap3A_88] {strides = array<i32>} : memref<125x128xf32, #tpu.memory_space<vmem>>, vector<1x16xf32>,
      %swap3A_90 = vector.shape_cast %swap3A_89 : vector<1x16xf32> to vector<16xf32>
      %swap3A_91 = vector.shape_cast %broadcast_in_dim3A_86 : vector<16xf32> to vector<1x16xf32>
      tpu.vector_store %arg8[%swap3A_87, %swap3A_88], %swap3A_91 {strides = array<i32>} : memref<125x128xf32, #tpu.memory_space<vmem>>, vector<1x16xf32>,
      %broadcast_in_dim3A_92 = arith.constant 0.000000e+00 : f32
      %broadcast_in_dim3A_93 = vector.broadcast %broadcast_in_dim3A_92 : f32 to vector<16xf32>
      %swap3A_94 = arith.index_cast %scan3A_64 : i32 to index
      %swap3A_95 = arith.constant 64 : index
      %swap3A_96 = tpu.vector_load %arg8[%swap3A_94, %swap3A_95] {strides = array<i32>} : memref<125x128xf32, #tpu.memory_space<vmem>>, vector<1x16xf32>,
      %swap3A_97 = vector.shape_cast %swap3A_96 : vector<1x16xf32> to vector<16xf32>
      %swap3A_98 = vector.shape_cast %broadcast_in_dim3A_93 : vector<16xf32> to vector<1x16xf32>
      tpu.vector_store %arg8[%swap3A_94, %swap3A_95], %swap3A_98 {strides = array<i32>} : memref<125x128xf32, #tpu.memory_space<vmem>>, vector<1x16xf32>,
      %broadcast_in_dim3A_99 = arith.constant 0.000000e+00 : f32
      %broadcast_in_dim3A_100 = vector.broadcast %broadcast_in_dim3A_99 : f32 to vector<16xf32>
      %swap3A_101 = arith.index_cast %scan3A_64 : i32 to index
      %swap3A_102 = arith.constant 80 : index
      %swap3A_103 = tpu.vector_load %arg8[%swap3A_101, %swap3A_102] {strides = array<i32>} : memref<125x128xf32, #tpu.memory_space<vmem>>, vector<1x16xf32>,
      %swap3A_104 = vector.shape_cast %swap3A_103 : vector<1x16xf32> to vector<16xf32>
      %swap3A_105 = vector.shape_cast %broadcast_in_dim3A_100 : vector<16xf32> to vector<1x16xf32>
      tpu.vector_store %arg8[%swap3A_101, %swap3A_102], %swap3A_105 {strides = array<i32>} : memref<125x128xf32, #tpu.memory_space<vmem>>, vector<1x16xf32>,
      %broadcast_in_dim3A_106 = arith.constant 0.000000e+00 : f32
      %broadcast_in_dim3A_107 = vector.broadcast %broadcast_in_dim3A_106 : f32 to vector<16xf32>
      %swap3A_108 = arith.index_cast %scan3A_64 : i32 to index
      %swap3A_109 = arith.constant 96 : index
      %swap3A_110 = tpu.vector_load %arg8[%swap3A_108, %swap3A_109] {strides = array<i32>} : memref<125x128xf32, #tpu.memory_space<vmem>>, vector<1x16xf32>,
      %swap3A_111 = vector.shape_cast %swap3A_110 : vector<1x16xf32> to vector<16xf32>
      %swap3A_112 = vector.shape_cast %broadcast_in_dim3A_107 : vector<16xf32> to vector<1x16xf32>
      tpu.vector_store %arg8[%swap3A_108, %swap3A_109], %swap3A_112 {strides = array<i32>} : memref<125x128xf32, #tpu.memory_space<vmem>>, vector<1x16xf32>,
      %broadcast_in_dim3A_113 = arith.constant 0.000000e+00 : f32
      %broadcast_in_dim3A_114 = vector.broadcast %broadcast_in_dim3A_113 : f32 to vector<16xf32>
      %swap3A_115 = arith.index_cast %scan3A_64 : i32 to index
      %swap3A_116 = arith.constant 112 : index
      %swap3A_117 = tpu.vector_load %arg8[%swap3A_115, %swap3A_116] {strides = array<i32>} : memref<125x128xf32, #tpu.memory_space<vmem>>, vector<1x16xf32>,
      %swap3A_118 = vector.shape_cast %swap3A_117 : vector<1x16xf32> to vector<16xf32>
      %swap3A_119 = vector.shape_cast %broadcast_in_dim3A_114 : vector<16xf32> to vector<1x16xf32>
      tpu.vector_store %arg8[%swap3A_115, %swap3A_116], %swap3A_119 {strides = array<i32>} : memref<125x128xf32, #tpu.memory_space<vmem>>, vector<1x16xf32>,
      %scan3A_120 = arith.constant 0 : i32
      scf.yield %scan3A_120 : i32
    }
    %scan3A_5 = arith.constant 125 : i32
    %mul3A = arith.constant 640 : i32
    %mul3A_6 = arith.muli %arg1, %mul3A : i32
    %add3A = arith.constant 0 : i32
    %add3A_7 = arith.addi %mul3A_6, %add3A : i32
    "tpu.region"() ({
      %run_scoped3A = tpu.sem_alloc : memref<!tpu.dma_semaphore, #tpu.memory_space<semaphore_mem>>
      %dma_start3A_64 = arith.constant 0 : i32
      %dma_start3A_65 = tpu.memref_slice %arg12[%add3A_7, %dma_start3A_64] : memref<10240x128xf32, #tpu.memory_space<vmem_shared>> -> memref<125x128xf32, #tpu.memory_space<vmem_shared>>
      %dma_start3A_66 = arith.constant 0 : i32
      %dma_start3A_67 = tpu.memref_slice %arg12[%add3A_7, %dma_start3A_66] : memref<10240x128xf32, #tpu.memory_space<vmem_shared>> -> memref<125x128xf32, #tpu.memory_space<vmem_shared>>
      tpu.enqueue_dma source(%arg8 : memref<125x128xf32, #tpu.memory_space<vmem>>) target(%dma_start3A_67 : memref<125x128xf32, #tpu.memory_space<vmem_shared>>) target_semaphore(%run_scoped3A : memref<!tpu.dma_semaphore, #tpu.memory_space<semaphore_mem>>)
      %dma_wait3A = arith.constant 0 : i32
      %dma_wait3A_68 = tpu.memref_slice %arg12[%add3A_7, %dma_wait3A] : memref<10240x128xf32, #tpu.memory_space<vmem_shared>> -> memref<125x128xf32, #tpu.memory_space<vmem_shared>>
      %dma_wait3A_69 = arith.constant 0 : i32
      %dma_wait3A_70 = tpu.memref_slice %arg12[%add3A_7, %dma_wait3A_69] : memref<10240x128xf32, #tpu.memory_space<vmem_shared>> -> memref<125x128xf32, #tpu.memory_space<vmem_shared>>
      tpu.wait_dma2 semaphore(%run_scoped3A : memref<!tpu.dma_semaphore, #tpu.memory_space<semaphore_mem>>) src(%arg8 : memref<125x128xf32, #tpu.memory_space<vmem>>) dst(%dma_wait3A_70 : memref<125x128xf32, #tpu.memory_space<vmem_shared>>)
      tpu.yield
    }) : () -> ()
    %add3A_8 = arith.constant 125 : i32
    %add3A_9 = arith.addi %mul3A_6, %add3A_8 : i32
    "tpu.region"() ({
      %run_scoped3A = tpu.sem_alloc : memref<!tpu.dma_semaphore, #tpu.memory_space<semaphore_mem>>
      %dma_start3A_64 = arith.constant 0 : i32
      %dma_start3A_65 = tpu.memref_slice %arg12[%add3A_9, %dma_start3A_64] : memref<10240x128xf32, #tpu.memory_space<vmem_shared>> -> memref<125x128xf32, #tpu.memory_space<vmem_shared>>
      %dma_start3A_66 = arith.constant 0 : i32
      %dma_start3A_67 = tpu.memref_slice %arg12[%add3A_9, %dma_start3A_66] : memref<10240x128xf32, #tpu.memory_space<vmem_shared>> -> memref<125x128xf32, #tpu.memory_space<vmem_shared>>
      tpu.enqueue_dma source(%arg8 : memref<125x128xf32, #tpu.memory_space<vmem>>) target(%dma_start3A_67 : memref<125x128xf32, #tpu.memory_space<vmem_shared>>) target_semaphore(%run_scoped3A : memref<!tpu.dma_semaphore, #tpu.memory_space<semaphore_mem>>)
      %dma_wait3A = arith.constant 0 : i32
      %dma_wait3A_68 = tpu.memref_slice %arg12[%add3A_9, %dma_wait3A] : memref<10240x128xf32, #tpu.memory_space<vmem_shared>> -> memref<125x128xf32, #tpu.memory_space<vmem_shared>>
      %dma_wait3A_69 = arith.constant 0 : i32
      %dma_wait3A_70 = tpu.memref_slice %arg12[%add3A_9, %dma_wait3A_69] : memref<10240x128xf32, #tpu.memory_space<vmem_shared>> -> memref<125x128xf32, #tpu.memory_space<vmem_shared>>
      tpu.wait_dma2 semaphore(%run_scoped3A : memref<!tpu.dma_semaphore, #tpu.memory_space<semaphore_mem>>) src(%arg8 : memref<125x128xf32, #tpu.memory_space<vmem>>) dst(%dma_wait3A_70 : memref<125x128xf32, #tpu.memory_space<vmem_shared>>)
      tpu.yield
    }) : () -> ()
    %add3A_10 = arith.constant 250 : i32
    %add3A_11 = arith.addi %mul3A_6, %add3A_10 : i32
    "tpu.region"() ({
      %run_scoped3A = tpu.sem_alloc : memref<!tpu.dma_semaphore, #tpu.memory_space<semaphore_mem>>
      %dma_start3A_64 = arith.constant 0 : i32
      %dma_start3A_65 = tpu.memref_slice %arg12[%add3A_11, %dma_start3A_64] : memref<10240x128xf32, #tpu.memory_space<vmem_shared>> -> memref<125x128xf32, #tpu.memory_space<vmem_shared>>
      %dma_start3A_66 = arith.constant 0 : i32
      %dma_start3A_67 = tpu.memref_slice %arg12[%add3A_11, %dma_start3A_66] : memref<10240x128xf32, #tpu.memory_space<vmem_shared>> -> memref<125x128xf32, #tpu.memory_space<vmem_shared>>
      tpu.enqueue_dma source(%arg8 : memref<125x128xf32, #tpu.memory_space<vmem>>) target(%dma_start3A_67 : memref<125x128xf32, #tpu.memory_space<vmem_shared>>) target_semaphore(%run_scoped3A : memref<!tpu.dma_semaphore, #tpu.memory_space<semaphore_mem>>)
      %dma_wait3A = arith.constant 0 : i32
      %dma_wait3A_68 = tpu.memref_slice %arg12[%add3A_11, %dma_wait3A] : memref<10240x128xf32, #tpu.memory_space<vmem_shared>> -> memref<125x128xf32, #tpu.memory_space<vmem_shared>>
      %dma_wait3A_69 = arith.constant 0 : i32
      %dma_wait3A_70 = tpu.memref_slice %arg12[%add3A_11, %dma_wait3A_69] : memref<10240x128xf32, #tpu.memory_space<vmem_shared>> -> memref<125x128xf32, #tpu.memory_space<vmem_shared>>
      tpu.wait_dma2 semaphore(%run_scoped3A : memref<!tpu.dma_semaphore, #tpu.memory_space<semaphore_mem>>) src(%arg8 : memref<125x128xf32, #tpu.memory_space<vmem>>) dst(%dma_wait3A_70 : memref<125x128xf32, #tpu.memory_space<vmem_shared>>)
      tpu.yield
    }) : () -> ()
    %add3A_12 = arith.constant 375 : i32
    %add3A_13 = arith.addi %mul3A_6, %add3A_12 : i32
    "tpu.region"() ({
      %run_scoped3A = tpu.sem_alloc : memref<!tpu.dma_semaphore, #tpu.memory_space<semaphore_mem>>
      %dma_start3A_64 = arith.constant 0 : i32
      %dma_start3A_65 = tpu.memref_slice %arg12[%add3A_13, %dma_start3A_64] : memref<10240x128xf32, #tpu.memory_space<vmem_shared>> -> memref<125x128xf32, #tpu.memory_space<vmem_shared>>
      %dma_start3A_66 = arith.constant 0 : i32
      %dma_start3A_67 = tpu.memref_slice %arg12[%add3A_13, %dma_start3A_66] : memref<10240x128xf32, #tpu.memory_space<vmem_shared>> -> memref<125x128xf32, #tpu.memory_space<vmem_shared>>
      tpu.enqueue_dma source(%arg8 : memref<125x128xf32, #tpu.memory_space<vmem>>) target(%dma_start3A_67 : memref<125x128xf32, #tpu.memory_space<vmem_shared>>) target_semaphore(%run_scoped3A : memref<!tpu.dma_semaphore, #tpu.memory_space<semaphore_mem>>)
      %dma_wait3A = arith.constant 0 : i32
      %dma_wait3A_68 = tpu.memref_slice %arg12[%add3A_13, %dma_wait3A] : memref<10240x128xf32, #tpu.memory_space<vmem_shared>> -> memref<125x128xf32, #tpu.memory_space<vmem_shared>>
      %dma_wait3A_69 = arith.constant 0 : i32
      %dma_wait3A_70 = tpu.memref_slice %arg12[%add3A_13, %dma_wait3A_69] : memref<10240x128xf32, #tpu.memory_space<vmem_shared>> -> memref<125x128xf32, #tpu.memory_space<vmem_shared>>
      tpu.wait_dma2 semaphore(%run_scoped3A : memref<!tpu.dma_semaphore, #tpu.memory_space<semaphore_mem>>) src(%arg8 : memref<125x128xf32, #tpu.memory_space<vmem>>) dst(%dma_wait3A_70 : memref<125x128xf32, #tpu.memory_space<vmem_shared>>)
      tpu.yield
    }) : () -> ()
    %add3A_14 = arith.constant 500 : i32
    %add3A_15 = arith.addi %mul3A_6, %add3A_14 : i32
    "tpu.region"() ({
      %run_scoped3A = tpu.sem_alloc : memref<!tpu.dma_semaphore, #tpu.memory_space<semaphore_mem>>
      %dma_start3A_64 = arith.constant 0 : i32
      %dma_start3A_65 = tpu.memref_slice %arg12[%add3A_15, %dma_start3A_64] : memref<10240x128xf32, #tpu.memory_space<vmem_shared>> -> memref<125x128xf32, #tpu.memory_space<vmem_shared>>
      %dma_start3A_66 = arith.constant 0 : i32
      %dma_start3A_67 = tpu.memref_slice %arg12[%add3A_15, %dma_start3A_66] : memref<10240x128xf32, #tpu.memory_space<vmem_shared>> -> memref<125x128xf32, #tpu.memory_space<vmem_shared>>
      tpu.enqueue_dma source(%arg8 : memref<125x128xf32, #tpu.memory_space<vmem>>) target(%dma_start3A_67 : memref<125x128xf32, #tpu.memory_space<vmem_shared>>) target_semaphore(%run_scoped3A : memref<!tpu.dma_semaphore, #tpu.memory_space<semaphore_mem>>)
      %dma_wait3A = arith.constant 0 : i32
      %dma_wait3A_68 = tpu.memref_slice %arg12[%add3A_15, %dma_wait3A] : memref<10240x128xf32, #tpu.memory_space<vmem_shared>> -> memref<125x128xf32, #tpu.memory_space<vmem_shared>>
      %dma_wait3A_69 = arith.constant 0 : i32
      %dma_wait3A_70 = tpu.memref_slice %arg12[%add3A_15, %dma_wait3A_69] : memref<10240x128xf32, #tpu.memory_space<vmem_shared>> -> memref<125x128xf32, #tpu.memory_space<vmem_shared>>
      tpu.wait_dma2 semaphore(%run_scoped3A : memref<!tpu.dma_semaphore, #tpu.memory_space<semaphore_mem>>) src(%arg8 : memref<125x128xf32, #tpu.memory_space<vmem>>) dst(%dma_wait3A_70 : memref<125x128xf32, #tpu.memory_space<vmem_shared>>)
      tpu.yield
    }) : () -> ()
    %add3A_16 = arith.constant 625 : i32
    %add3A_17 = arith.addi %mul3A_6, %add3A_16 : i32
    "tpu.region"() ({
      %run_scoped3A = tpu.sem_alloc : memref<!tpu.dma_semaphore, #tpu.memory_space<semaphore_mem>>
      %dma_start3A_64 = arith.constant 0 : i32
      %dma_start3A_65 = arith.constant 0 : i32
      %dma_start3A_66 = tpu.memref_slice %arg8[%dma_start3A_64, %dma_start3A_65] : memref<125x128xf32, #tpu.memory_space<vmem>> -> memref<15x128xf32, #tpu.memory_space<vmem>>
      %dma_start3A_67 = arith.constant 0 : i32
      %dma_start3A_68 = tpu.memref_slice %arg12[%add3A_17, %dma_start3A_67] : memref<10240x128xf32, #tpu.memory_space<vmem_shared>> -> memref<15x128xf32, #tpu.memory_space<vmem_shared>>
      %dma_start3A_69 = arith.constant 0 : i32
      %dma_start3A_70 = tpu.memref_slice %arg12[%add3A_17, %dma_start3A_69] : memref<10240x128xf32, #tpu.memory_space<vmem_shared>> -> memref<15x128xf32, #tpu.memory_space<vmem_shared>>
      %dma_start3A_71 = arith.constant 0 : i32
      %dma_start3A_72 = arith.constant 0 : i32
      %dma_start3A_73 = tpu.memref_slice %arg8[%dma_start3A_71, %dma_start3A_72] : memref<125x128xf32, #tpu.memory_space<vmem>> -> memref<15x128xf32, #tpu.memory_space<vmem>>
      tpu.enqueue_dma source(%dma_start3A_73 : memref<15x128xf32, #tpu.memory_space<vmem>>) target(%dma_start3A_70 : memref<15x128xf32, #tpu.memory_space<vmem_shared>>) target_semaphore(%run_scoped3A : memref<!tpu.dma_semaphore, #tpu.memory_space<semaphore_mem>>)
      %dma_wait3A = arith.constant 0 : i32
      %dma_wait3A_74 = arith.constant 0 : i32
      %dma_wait3A_75 = tpu.memref_slice %arg8[%dma_wait3A, %dma_wait3A_74] : memref<125x128xf32, #tpu.memory_space<vmem>> -> memref<15x128xf32, #tpu.memory_space<vmem>>
      %dma_wait3A_76 = arith.constant 0 : i32
      %dma_wait3A_77 = tpu.memref_slice %arg12[%add3A_17, %dma_wait3A_76] : memref<10240x128xf32, #tpu.memory_space<vmem_shared>> -> memref<15x128xf32, #tpu.memory_space<vmem_shared>>
      %dma_wait3A_78 = arith.constant 0 : i32
      %dma_wait3A_79 = tpu.memref_slice %arg12[%add3A_17, %dma_wait3A_78] : memref<10240x128xf32, #tpu.memory_space<vmem_shared>> -> memref<15x128xf32, #tpu.memory_space<vmem_shared>>
      %dma_wait3A_80 = arith.constant 0 : i32
      %dma_wait3A_81 = arith.constant 0 : i32
      %dma_wait3A_82 = tpu.memref_slice %arg8[%dma_wait3A_80, %dma_wait3A_81] : memref<125x128xf32, #tpu.memory_space<vmem>> -> memref<15x128xf32, #tpu.memory_space<vmem>>
      tpu.wait_dma2 semaphore(%run_scoped3A : memref<!tpu.dma_semaphore, #tpu.memory_space<semaphore_mem>>) src(%dma_wait3A_82 : memref<15x128xf32, #tpu.memory_space<vmem>>) dst(%dma_wait3A_79 : memref<15x128xf32, #tpu.memory_space<vmem_shared>>)
      tpu.yield
    }) : () -> ()
    %barrier3A = arith.constant 0 : index
    tpu.barrier barrier_id(%barrier3A)
    "tpu.region"() ({
      %run_scoped3A = tpu.sem_alloc : memref<!tpu.dma_semaphore, #tpu.memory_space<semaphore_mem>>
      %dma_start3A_64 = arith.constant 0 : i32
      %dma_start3A_65 = arith.constant 0 : i32
      %dma_start3A_66 = tpu.memref_slice %arg3[%arg0, %arg1, %dma_start3A_64, %dma_start3A_65] : memref<2x16x80x125xi32, #tpu.memory_space<hbm>> -> memref<1x1x40x125xi32, #tpu.memory_space<hbm>>
      %dma_start3A_67 = tpu.memref_squeeze %dma_start3A_66 : memref<1x1x40x125xi32, #tpu.memory_space<hbm>> -> memref<40x125xi32, #tpu.memory_space<hbm>>
      %dma_start3A_68 = arith.constant 0 : i32
      %dma_start3A_69 = arith.constant 0 : i32
      %dma_start3A_70 = tpu.memref_slice %arg3[%arg0, %arg1, %dma_start3A_68, %dma_start3A_69] : memref<2x16x80x125xi32, #tpu.memory_space<hbm>> -> memref<1x1x40x125xi32, #tpu.memory_space<hbm>>
      %dma_start3A_71 = tpu.memref_squeeze %dma_start3A_70 : memref<1x1x40x125xi32, #tpu.memory_space<hbm>> -> memref<40x125xi32, #tpu.memory_space<hbm>>
      tpu.enqueue_dma source(%dma_start3A_71 : memref<40x125xi32, #tpu.memory_space<hbm>>) target(%arg6 : memref<40x125xi32, #tpu.memory_space<vmem>>) target_semaphore(%run_scoped3A : memref<!tpu.dma_semaphore, #tpu.memory_space<semaphore_mem>>)
      %dma_wait3A = arith.constant 0 : i32
      %dma_wait3A_72 = arith.constant 0 : i32
      %dma_wait3A_73 = tpu.memref_slice %arg3[%arg0, %arg1, %dma_wait3A, %dma_wait3A_72] : memref<2x16x80x125xi32, #tpu.memory_space<hbm>> -> memref<1x1x40x125xi32, #tpu.memory_space<hbm>>
      %dma_wait3A_74 = tpu.memref_squeeze %dma_wait3A_73 : memref<1x1x40x125xi32, #tpu.memory_space<hbm>> -> memref<40x125xi32, #tpu.memory_space<hbm>>
      %dma_wait3A_75 = arith.constant 0 : i32
      %dma_wait3A_76 = arith.constant 0 : i32
      %dma_wait3A_77 = tpu.memref_slice %arg3[%arg0, %arg1, %dma_wait3A_75, %dma_wait3A_76] : memref<2x16x80x125xi32, #tpu.memory_space<hbm>> -> memref<1x1x40x125xi32, #tpu.memory_space<hbm>>
      %dma_wait3A_78 = tpu.memref_squeeze %dma_wait3A_77 : memref<1x1x40x125xi32, #tpu.memory_space<hbm>> -> memref<40x125xi32, #tpu.memory_space<hbm>>
      tpu.wait_dma2 semaphore(%run_scoped3A : memref<!tpu.dma_semaphore, #tpu.memory_space<semaphore_mem>>) src(%dma_wait3A_78 : memref<40x125xi32, #tpu.memory_space<hbm>>) dst(%arg6 : memref<40x125xi32, #tpu.memory_space<vmem>>)
      tpu.yield
    }) : () -> ()
    "tpu.region"() ({
      %run_scoped3A = tpu.sem_alloc : memref<!tpu.dma_semaphore, #tpu.memory_space<semaphore_mem>>
      %dma_start3A_64 = arith.constant 0 : i32
      %dma_start3A_65 = arith.constant 0 : i32
      %dma_start3A_66 = tpu.memref_slice %arg4[%arg0, %arg1, %dma_start3A_64, %dma_start3A_65] : memref<2x16x80x125xi32, #tpu.memory_space<hbm>> -> memref<1x1x40x125xi32, #tpu.memory_space<hbm>>
      %dma_start3A_67 = tpu.memref_squeeze %dma_start3A_66 : memref<1x1x40x125xi32, #tpu.memory_space<hbm>> -> memref<40x125xi32, #tpu.memory_space<hbm>>
      %dma_start3A_68 = arith.constant 0 : i32
      %dma_start3A_69 = arith.constant 0 : i32
      %dma_start3A_70 = tpu.memref_slice %arg4[%arg0, %arg1, %dma_start3A_68, %dma_start3A_69] : memref<2x16x80x125xi32, #tpu.memory_space<hbm>> -> memref<1x1x40x125xi32, #tpu.memory_space<hbm>>
      %dma_start3A_71 = tpu.memref_squeeze %dma_start3A_70 : memref<1x1x40x125xi32, #tpu.memory_space<hbm>> -> memref<40x125xi32, #tpu.memory_space<hbm>>
      tpu.enqueue_dma source(%dma_start3A_71 : memref<40x125xi32, #tpu.memory_space<hbm>>) target(%arg7 : memref<40x125xi32, #tpu.memory_space<vmem>>) target_semaphore(%run_scoped3A : memref<!tpu.dma_semaphore, #tpu.memory_space<semaphore_mem>>)
      %dma_wait3A = arith.constant 0 : i32
      %dma_wait3A_72 = arith.constant 0 : i32
      %dma_wait3A_73 = tpu.memref_slice %arg4[%arg0, %arg1, %dma_wait3A, %dma_wait3A_72] : memref<2x16x80x125xi32, #tpu.memory_space<hbm>> -> memref<1x1x40x125xi32, #tpu.memory_space<hbm>>
      %dma_wait3A_74 = tpu.memref_squeeze %dma_wait3A_73 : memref<1x1x40x125xi32, #tpu.memory_space<hbm>> -> memref<40x125xi32, #tpu.memory_space<hbm>>
      %dma_wait3A_75 = arith.constant 0 : i32
      %dma_wait3A_76 = arith.constant 0 : i32
      %dma_wait3A_77 = tpu.memref_slice %arg4[%arg0, %arg1, %dma_wait3A_75, %dma_wait3A_76] : memref<2x16x80x125xi32, #tpu.memory_space<hbm>> -> memref<1x1x40x125xi32, #tpu.memory_space<hbm>>
      %dma_wait3A_78 = tpu.memref_squeeze %dma_wait3A_77 : memref<1x1x40x125xi32, #tpu.memory_space<hbm>> -> memref<40x125xi32, #tpu.memory_space<hbm>>
      tpu.wait_dma2 semaphore(%run_scoped3A : memref<!tpu.dma_semaphore, #tpu.memory_space<semaphore_mem>>) src(%dma_wait3A_78 : memref<40x125xi32, #tpu.memory_space<hbm>>) dst(%arg7 : memref<40x125xi32, #tpu.memory_space<vmem>>)
      tpu.yield
    }) : () -> ()
    %dma_start3A = arith.constant 0 : i32
    %dma_start3A_18 = arith.constant 0 : i32
    %dma_start3A_19 = tpu.memref_slice %arg6[%dma_start3A, %dma_start3A_18] : memref<40x125xi32, #tpu.memory_space<vmem>> -> memref<1x125xi32, #tpu.memory_space<vmem>>
    %dma_start3A_20 = tpu.memref_squeeze %dma_start3A_19 : memref<1x125xi32, #tpu.memory_space<vmem>> -> memref<125xi32, #tpu.memory_space<vmem>>
    %dma_start3A_21 = arith.constant 0 : i32
    %dma_start3A_22 = arith.constant 0 : i32
    %dma_start3A_23 = tpu.memref_slice %arg2[%dma_start3A_21, %dma_start3A_22] : memref<10000x128xf32, #tpu.memory_space<hbm>> -> memref<10000x128xf32, #tpu.memory_space<hbm>>
    tpu.enqueue_indirect_dma source(%dma_start3A_23 : memref<10000x128xf32, #tpu.memory_space<hbm>>) target(%arg8 : memref<125x128xf32, #tpu.memory_space<vmem>>) offsets(%dma_start3A_20 : memref<125xi32, #tpu.memory_space<vmem>>) semaphore(%arg10 : memref<!tpu.dma_semaphore, #tpu.memory_space<semaphore_mem>>)
    %dma_start3A_24 = arith.constant 1 : i32
    %dma_start3A_25 = arith.constant 0 : i32
    %dma_start3A_26 = tpu.memref_slice %arg6[%dma_start3A_24, %dma_start3A_25] : memref<40x125xi32, #tpu.memory_space<vmem>> -> memref<1x125xi32, #tpu.memory_space<vmem>>
    %dma_start3A_27 = tpu.memref_squeeze %dma_start3A_26 : memref<1x125xi32, #tpu.memory_space<vmem>> -> memref<125xi32, #tpu.memory_space<vmem>>
    %dma_start3A_28 = arith.constant 0 : i32
    %dma_start3A_29 = arith.constant 0 : i32
    %dma_start3A_30 = tpu.memref_slice %arg2[%dma_start3A_28, %dma_start3A_29] : memref<10000x128xf32, #tpu.memory_space<hbm>> -> memref<10000x128xf32, #tpu.memory_space<hbm>>
    tpu.enqueue_indirect_dma source(%dma_start3A_30 : memref<10000x128xf32, #tpu.memory_space<hbm>>) target(%arg9 : memref<125x128xf32, #tpu.memory_space<vmem>>) offsets(%dma_start3A_27 : memref<125xi32, #tpu.memory_space<vmem>>) semaphore(%arg11 : memref<!tpu.dma_semaphore, #tpu.memory_space<semaphore_mem>>)
    %scan3A_31 = arith.constant 0 : i32
    %scan3A_32 = arith.constant 0 : i32
    %scan3A_33 = arith.constant 20 : i32
    %scan3A_34 = arith.addi %scan3A_32, %scan3A_33 : i32
    %scan3A_35 = arith.constant 1 : i32
    %scan3A_36 = scf.for %scan3A_64 = %scan3A_32 to %scan3A_34 step %scan3A_35 iter_args(%scan3A_65 = %scan3A_31) -> (i32)  : i32 {
      %mul3A_66 = arith.constant 2 : i32
      %mul3A_67 = arith.muli %mul3A_66, %scan3A_64 : i32
      %mul3A_68 = arith.constant 2 : i32
      %mul3A_69 = arith.muli %mul3A_68, %scan3A_64 : i32
      %add3A_70 = arith.constant 1 : i32
      %add3A_71 = arith.addi %mul3A_69, %add3A_70 : i32
      %dma_wait3A = arith.constant 0 : i32
      %dma_wait3A_72 = tpu.memref_slice %arg6[%mul3A_67, %dma_wait3A] : memref<40x125xi32, #tpu.memory_space<vmem>> -> memref<1x125xi32, #tpu.memory_space<vmem>>
      %dma_wait3A_73 = tpu.memref_squeeze %dma_wait3A_72 : memref<1x125xi32, #tpu.memory_space<vmem>> -> memref<125xi32, #tpu.memory_space<vmem>>
      %dma_wait3A_74 = arith.constant 0 : i32
      %dma_wait3A_75 = arith.constant 0 : i32
      %dma_wait3A_76 = tpu.memref_slice %arg2[%dma_wait3A_74, %dma_wait3A_75] : memref<10000x128xf32, #tpu.memory_space<hbm>> -> memref<10000x128xf32, #tpu.memory_space<hbm>>
      tpu.wait_indirect_dma semaphore(%arg10 : memref<!tpu.dma_semaphore, #tpu.memory_space<semaphore_mem>>) src(%dma_wait3A_76 : memref<10000x128xf32, #tpu.memory_space<hbm>>) dst(%arg8 : memref<125x128xf32, #tpu.memory_space<vmem>>)
      "tpu.region"() ({
        %run_scoped3A = tpu.sem_alloc : memref<!tpu.dma_semaphore, #tpu.memory_space<semaphore_mem>>
        %dma_start3A_95 = arith.constant 0 : i32
        %dma_start3A_96 = tpu.memref_slice %arg7[%mul3A_67, %dma_start3A_95] : memref<40x125xi32, #tpu.memory_space<vmem>> -> memref<1x125xi32, #tpu.memory_space<vmem>>
        %dma_start3A_97 = tpu.memref_squeeze %dma_start3A_96 : memref<1x125xi32, #tpu.memory_space<vmem>> -> memref<125xi32, #tpu.memory_space<vmem>>
        %dma_start3A_98 = arith.constant 0 : i32
        %dma_start3A_99 = arith.constant 0 : i32
        %dma_start3A_100 = tpu.memref_slice %arg12[%dma_start3A_98, %dma_start3A_99] : memref<10240x128xf32, #tpu.memory_space<vmem_shared>> -> memref<10240x128xf32, #tpu.memory_space<vmem_shared>>
        tpu.enqueue_indirect_dma source(%arg8 : memref<125x128xf32, #tpu.memory_space<vmem>>) target(%dma_start3A_100 : memref<10240x128xf32, #tpu.memory_space<vmem_shared>>) offsets(%dma_start3A_97 : memref<125xi32, #tpu.memory_space<vmem>>) semaphore(%run_scoped3A : memref<!tpu.dma_semaphore, #tpu.memory_space<semaphore_mem>>) {add = true}
        %dma_wait3A_101 = arith.constant 0 : i32
        %dma_wait3A_102 = tpu.memref_slice %arg7[%mul3A_67, %dma_wait3A_101] : memref<40x125xi32, #tpu.memory_space<vmem>> -> memref<1x125xi32, #tpu.memory_space<vmem>>
        %dma_wait3A_103 = tpu.memref_squeeze %dma_wait3A_102 : memref<1x125xi32, #tpu.memory_space<vmem>> -> memref<125xi32, #tpu.memory_space<vmem>>
        %dma_wait3A_104 = arith.constant 0 : i32
        %dma_wait3A_105 = arith.constant 0 : i32
        %dma_wait3A_106 = tpu.memref_slice %arg12[%dma_wait3A_104, %dma_wait3A_105] : memref<10240x128xf32, #tpu.memory_space<vmem_shared>> -> memref<10240x128xf32, #tpu.memory_space<vmem_shared>>
        tpu.wait_indirect_dma semaphore(%run_scoped3A : memref<!tpu.dma_semaphore, #tpu.memory_space<semaphore_mem>>) src(%arg8 : memref<125x128xf32, #tpu.memory_space<vmem>>) dst(%dma_wait3A_106 : memref<10240x128xf32, #tpu.memory_space<vmem_shared>>)
        tpu.yield
      }) : () -> ()
      %add3A_77 = arith.constant 2 : i32
      %add3A_78 = arith.addi %mul3A_67, %add3A_77 : i32
      %lt3A = arith.constant 40 : i32
      %lt3A_79 = arith.cmpi slt, %add3A_78, %lt3A : i32
      %convert_element_type3A = arith.extui %lt3A_79 : i1 to i32
      %cond3A = arith.constant 0 : i32
      %cond3A_80 = arith.cmpi ne, %convert_element_type3A, %cond3A : i32
      scf.if %cond3A_80 {
        %add3A_95 = arith.constant 2 : i32
        %add3A_96 = arith.addi %mul3A_67, %add3A_95 : i32
        %dma_start3A_97 = arith.constant 0 : i32
        %dma_start3A_98 = tpu.memref_slice %arg6[%add3A_96, %dma_start3A_97] : memref<40x125xi32, #tpu.memory_space<vmem>> -> memref<1x125xi32, #tpu.memory_space<vmem>>
        %dma_start3A_99 = tpu.memref_squeeze %dma_start3A_98 : memref<1x125xi32, #tpu.memory_space<vmem>> -> memref<125xi32, #tpu.memory_space<vmem>>
        %dma_start3A_100 = arith.constant 0 : i32
        %dma_start3A_101 = arith.constant 0 : i32
        %dma_start3A_102 = tpu.memref_slice %arg2[%dma_start3A_100, %dma_start3A_101] : memref<10000x128xf32, #tpu.memory_space<hbm>> -> memref<10000x128xf32, #tpu.memory_space<hbm>>
        tpu.enqueue_indirect_dma source(%dma_start3A_102 : memref<10000x128xf32, #tpu.memory_space<hbm>>) target(%arg8 : memref<125x128xf32, #tpu.memory_space<vmem>>) offsets(%dma_start3A_99 : memref<125xi32, #tpu.memory_space<vmem>>) semaphore(%arg10 : memref<!tpu.dma_semaphore, #tpu.memory_space<semaphore_mem>>)
      } else {
      }
      %dma_wait3A_81 = arith.constant 0 : i32
      %dma_wait3A_82 = tpu.memref_slice %arg6[%add3A_71, %dma_wait3A_81] : memref<40x125xi32, #tpu.memory_space<vmem>> -> memref<1x125xi32, #tpu.memory_space<vmem>>
      %dma_wait3A_83 = tpu.memref_squeeze %dma_wait3A_82 : memref<1x125xi32, #tpu.memory_space<vmem>> -> memref<125xi32, #tpu.memory_space<vmem>>
      %dma_wait3A_84 = arith.constant 0 : i32
      %dma_wait3A_85 = arith.constant 0 : i32
      %dma_wait3A_86 = tpu.memref_slice %arg2[%dma_wait3A_84, %dma_wait3A_85] : memref<10000x128xf32, #tpu.memory_space<hbm>> -> memref<10000x128xf32, #tpu.memory_space<hbm>>
      tpu.wait_indirect_dma semaphore(%arg11 : memref<!tpu.dma_semaphore, #tpu.memory_space<semaphore_mem>>) src(%dma_wait3A_86 : memref<10000x128xf32, #tpu.memory_space<hbm>>) dst(%arg9 : memref<125x128xf32, #tpu.memory_space<vmem>>)
      "tpu.region"() ({
        %run_scoped3A = tpu.sem_alloc : memref<!tpu.dma_semaphore, #tpu.memory_space<semaphore_mem>>
        %dma_start3A_95 = arith.constant 0 : i32
        %dma_start3A_96 = tpu.memref_slice %arg7[%add3A_71, %dma_start3A_95] : memref<40x125xi32, #tpu.memory_space<vmem>> -> memref<1x125xi32, #tpu.memory_space<vmem>>
        %dma_start3A_97 = tpu.memref_squeeze %dma_start3A_96 : memref<1x125xi32, #tpu.memory_space<vmem>> -> memref<125xi32, #tpu.memory_space<vmem>>
        %dma_start3A_98 = arith.constant 0 : i32
        %dma_start3A_99 = arith.constant 0 : i32
        %dma_start3A_100 = tpu.memref_slice %arg12[%dma_start3A_98, %dma_start3A_99] : memref<10240x128xf32, #tpu.memory_space<vmem_shared>> -> memref<10240x128xf32, #tpu.memory_space<vmem_shared>>
        tpu.enqueue_indirect_dma source(%arg9 : memref<125x128xf32, #tpu.memory_space<vmem>>) target(%dma_start3A_100 : memref<10240x128xf32, #tpu.memory_space<vmem_shared>>) offsets(%dma_start3A_97 : memref<125xi32, #tpu.memory_space<vmem>>) semaphore(%run_scoped3A : memref<!tpu.dma_semaphore, #tpu.memory_space<semaphore_mem>>) {add = true}
        %dma_wait3A_101 = arith.constant 0 : i32
        %dma_wait3A_102 = tpu.memref_slice %arg7[%add3A_71, %dma_wait3A_101] : memref<40x125xi32, #tpu.memory_space<vmem>> -> memref<1x125xi32, #tpu.memory_space<vmem>>
        %dma_wait3A_103 = tpu.memref_squeeze %dma_wait3A_102 : memref<1x125xi32, #tpu.memory_space<vmem>> -> memref<125xi32, #tpu.memory_space<vmem>>
        %dma_wait3A_104 = arith.constant 0 : i32
        %dma_wait3A_105 = arith.constant 0 : i32
        %dma_wait3A_106 = tpu.memref_slice %arg12[%dma_wait3A_104, %dma_wait3A_105] : memref<10240x128xf32, #tpu.memory_space<vmem_shared>> -> memref<10240x128xf32, #tpu.memory_space<vmem_shared>>
        tpu.wait_indirect_dma semaphore(%run_scoped3A : memref<!tpu.dma_semaphore, #tpu.memory_space<semaphore_mem>>) src(%arg9 : memref<125x128xf32, #tpu.memory_space<vmem>>) dst(%dma_wait3A_106 : memref<10240x128xf32, #tpu.memory_space<vmem_shared>>)
        tpu.yield
      }) : () -> ()
      %add3A_87 = arith.constant 2 : i32
      %add3A_88 = arith.addi %add3A_71, %add3A_87 : i32
      %lt3A_89 = arith.constant 40 : i32
      %lt3A_90 = arith.cmpi slt, %add3A_88, %lt3A_89 : i32
      %convert_element_type3A_91 = arith.extui %lt3A_90 : i1 to i32
      %cond3A_92 = arith.constant 0 : i32
      %cond3A_93 = arith.cmpi ne, %convert_element_type3A_91, %cond3A_92 : i32
      scf.if %cond3A_93 {
        %add3A_95 = arith.constant 2 : i32
        %add3A_96 = arith.addi %add3A_71, %add3A_95 : i32
        %dma_start3A_97 = arith.constant 0 : i32
        %dma_start3A_98 = tpu.memref_slice %arg6[%add3A_96, %dma_start3A_97] : memref<40x125xi32, #tpu.memory_space<vmem>> -> memref<1x125xi32, #tpu.memory_space<vmem>>
        %dma_start3A_99 = tpu.memref_squeeze %dma_start3A_98 : memref<1x125xi32, #tpu.memory_space<vmem>> -> memref<125xi32, #tpu.memory_space<vmem>>
        %dma_start3A_100 = arith.constant 0 : i32
        %dma_start3A_101 = arith.constant 0 : i32
        %dma_start3A_102 = tpu.memref_slice %arg2[%dma_start3A_100, %dma_start3A_101] : memref<10000x128xf32, #tpu.memory_space<hbm>> -> memref<10000x128xf32, #tpu.memory_space<hbm>>
        tpu.enqueue_indirect_dma source(%dma_start3A_102 : memref<10000x128xf32, #tpu.memory_space<hbm>>) target(%arg9 : memref<125x128xf32, #tpu.memory_space<vmem>>) offsets(%dma_start3A_99 : memref<125xi32, #tpu.memory_space<vmem>>) semaphore(%arg11 : memref<!tpu.dma_semaphore, #tpu.memory_space<semaphore_mem>>)
      } else {
      }
      %scan3A_94 = arith.constant 0 : i32
      scf.yield %scan3A_94 : i32
    }
    %scan3A_37 = arith.constant 20 : i32
    "tpu.region"() ({
      %run_scoped3A = tpu.sem_alloc : memref<!tpu.dma_semaphore, #tpu.memory_space<semaphore_mem>>
      %dma_start3A_64 = arith.constant 40 : i32
      %dma_start3A_65 = arith.constant 0 : i32
      %dma_start3A_66 = tpu.memref_slice %arg3[%arg0, %arg1, %dma_start3A_64, %dma_start3A_65] : memref<2x16x80x125xi32, #tpu.memory_space<hbm>> -> memref<1x1x40x125xi32, #tpu.memory_space<hbm>>
      %dma_start3A_67 = tpu.memref_squeeze %dma_start3A_66 : memref<1x1x40x125xi32, #tpu.memory_space<hbm>> -> memref<40x125xi32, #tpu.memory_space<hbm>>
      %dma_start3A_68 = arith.constant 40 : i32
      %dma_start3A_69 = arith.constant 0 : i32
      %dma_start3A_70 = tpu.memref_slice %arg3[%arg0, %arg1, %dma_start3A_68, %dma_start3A_69] : memref<2x16x80x125xi32, #tpu.memory_space<hbm>> -> memref<1x1x40x125xi32, #tpu.memory_space<hbm>>
      %dma_start3A_71 = tpu.memref_squeeze %dma_start3A_70 : memref<1x1x40x125xi32, #tpu.memory_space<hbm>> -> memref<40x125xi32, #tpu.memory_space<hbm>>
      tpu.enqueue_dma source(%dma_start3A_71 : memref<40x125xi32, #tpu.memory_space<hbm>>) target(%arg6 : memref<40x125xi32, #tpu.memory_space<vmem>>) target_semaphore(%run_scoped3A : memref<!tpu.dma_semaphore, #tpu.memory_space<semaphore_mem>>)
      %dma_wait3A = arith.constant 40 : i32
      %dma_wait3A_72 = arith.constant 0 : i32
      %dma_wait3A_73 = tpu.memref_slice %arg3[%arg0, %arg1, %dma_wait3A, %dma_wait3A_72] : memref<2x16x80x125xi32, #tpu.memory_space<hbm>> -> memref<1x1x40x125xi32, #tpu.memory_space<hbm>>
      %dma_wait3A_74 = tpu.memref_squeeze %dma_wait3A_73 : memref<1x1x40x125xi32, #tpu.memory_space<hbm>> -> memref<40x125xi32, #tpu.memory_space<hbm>>
      %dma_wait3A_75 = arith.constant 40 : i32
      %dma_wait3A_76 = arith.constant 0 : i32
      %dma_wait3A_77 = tpu.memref_slice %arg3[%arg0, %arg1, %dma_wait3A_75, %dma_wait3A_76] : memref<2x16x80x125xi32, #tpu.memory_space<hbm>> -> memref<1x1x40x125xi32, #tpu.memory_space<hbm>>
      %dma_wait3A_78 = tpu.memref_squeeze %dma_wait3A_77 : memref<1x1x40x125xi32, #tpu.memory_space<hbm>> -> memref<40x125xi32, #tpu.memory_space<hbm>>
      tpu.wait_dma2 semaphore(%run_scoped3A : memref<!tpu.dma_semaphore, #tpu.memory_space<semaphore_mem>>) src(%dma_wait3A_78 : memref<40x125xi32, #tpu.memory_space<hbm>>) dst(%arg6 : memref<40x125xi32, #tpu.memory_space<vmem>>)
      tpu.yield
    }) : () -> ()
    "tpu.region"() ({
      %run_scoped3A = tpu.sem_alloc : memref<!tpu.dma_semaphore, #tpu.memory_space<semaphore_mem>>
      %dma_start3A_64 = arith.constant 40 : i32
      %dma_start3A_65 = arith.constant 0 : i32
      %dma_start3A_66 = tpu.memref_slice %arg4[%arg0, %arg1, %dma_start3A_64, %dma_start3A_65] : memref<2x16x80x125xi32, #tpu.memory_space<hbm>> -> memref<1x1x40x125xi32, #tpu.memory_space<hbm>>
      %dma_start3A_67 = tpu.memref_squeeze %dma_start3A_66 : memref<1x1x40x125xi32, #tpu.memory_space<hbm>> -> memref<40x125xi32, #tpu.memory_space<hbm>>
      %dma_start3A_68 = arith.constant 40 : i32
      %dma_start3A_69 = arith.constant 0 : i32
      %dma_start3A_70 = tpu.memref_slice %arg4[%arg0, %arg1, %dma_start3A_68, %dma_start3A_69] : memref<2x16x80x125xi32, #tpu.memory_space<hbm>> -> memref<1x1x40x125xi32, #tpu.memory_space<hbm>>
      %dma_start3A_71 = tpu.memref_squeeze %dma_start3A_70 : memref<1x1x40x125xi32, #tpu.memory_space<hbm>> -> memref<40x125xi32, #tpu.memory_space<hbm>>
      tpu.enqueue_dma source(%dma_start3A_71 : memref<40x125xi32, #tpu.memory_space<hbm>>) target(%arg7 : memref<40x125xi32, #tpu.memory_space<vmem>>) target_semaphore(%run_scoped3A : memref<!tpu.dma_semaphore, #tpu.memory_space<semaphore_mem>>)
      %dma_wait3A = arith.constant 40 : i32
      %dma_wait3A_72 = arith.constant 0 : i32
      %dma_wait3A_73 = tpu.memref_slice %arg4[%arg0, %arg1, %dma_wait3A, %dma_wait3A_72] : memref<2x16x80x125xi32, #tpu.memory_space<hbm>> -> memref<1x1x40x125xi32, #tpu.memory_space<hbm>>
      %dma_wait3A_74 = tpu.memref_squeeze %dma_wait3A_73 : memref<1x1x40x125xi32, #tpu.memory_space<hbm>> -> memref<40x125xi32, #tpu.memory_space<hbm>>
      %dma_wait3A_75 = arith.constant 40 : i32
      %dma_wait3A_76 = arith.constant 0 : i32
      %dma_wait3A_77 = tpu.memref_slice %arg4[%arg0, %arg1, %dma_wait3A_75, %dma_wait3A_76] : memref<2x16x80x125xi32, #tpu.memory_space<hbm>> -> memref<1x1x40x125xi32, #tpu.memory_space<hbm>>
      %dma_wait3A_78 = tpu.memref_squeeze %dma_wait3A_77 : memref<1x1x40x125xi32, #tpu.memory_space<hbm>> -> memref<40x125xi32, #tpu.memory_space<hbm>>
      tpu.wait_dma2 semaphore(%run_scoped3A : memref<!tpu.dma_semaphore, #tpu.memory_space<semaphore_mem>>) src(%dma_wait3A_78 : memref<40x125xi32, #tpu.memory_space<hbm>>) dst(%arg7 : memref<40x125xi32, #tpu.memory_space<vmem>>)
      tpu.yield
    }) : () -> ()
    %dma_start3A_38 = arith.constant 0 : i32
    %dma_start3A_39 = arith.constant 0 : i32
    %dma_start3A_40 = tpu.memref_slice %arg6[%dma_start3A_38, %dma_start3A_39] : memref<40x125xi32, #tpu.memory_space<vmem>> -> memref<1x125xi32, #tpu.memory_space<vmem>>
    %dma_start3A_41 = tpu.memref_squeeze %dma_start3A_40 : memref<1x125xi32, #tpu.memory_space<vmem>> -> memref<125xi32, #tpu.memory_space<vmem>>
    %dma_start3A_42 = arith.constant 0 : i32
    %dma_start3A_43 = arith.constant 0 : i32
    %dma_start3A_44 = tpu.memref_slice %arg2[%dma_start3A_42, %dma_start3A_43] : memref<10000x128xf32, #tpu.memory_space<hbm>> -> memref<10000x128xf32, #tpu.memory_space<hbm>>
    tpu.enqueue_indirect_dma source(%dma_start3A_44 : memref<10000x128xf32, #tpu.memory_space<hbm>>) target(%arg8 : memref<125x128xf32, #tpu.memory_space<vmem>>) offsets(%dma_start3A_41 : memref<125xi32, #tpu.memory_space<vmem>>) semaphore(%arg10 : memref<!tpu.dma_semaphore, #tpu.memory_space<semaphore_mem>>)
    %dma_start3A_45 = arith.constant 1 : i32
    %dma_start3A_46 = arith.constant 0 : i32
    %dma_start3A_47 = tpu.memref_slice %arg6[%dma_start3A_45, %dma_start3A_46] : memref<40x125xi32, #tpu.memory_space<vmem>> -> memref<1x125xi32, #tpu.memory_space<vmem>>
    %dma_start3A_48 = tpu.memref_squeeze %dma_start3A_47 : memref<1x125xi32, #tpu.memory_space<vmem>> -> memref<125xi32, #tpu.memory_space<vmem>>
    %dma_start3A_49 = arith.constant 0 : i32
    %dma_start3A_50 = arith.constant 0 : i32
    %dma_start3A_51 = tpu.memref_slice %arg2[%dma_start3A_49, %dma_start3A_50] : memref<10000x128xf32, #tpu.memory_space<hbm>> -> memref<10000x128xf32, #tpu.memory_space<hbm>>
    tpu.enqueue_indirect_dma source(%dma_start3A_51 : memref<10000x128xf32, #tpu.memory_space<hbm>>) target(%arg9 : memref<125x128xf32, #tpu.memory_space<vmem>>) offsets(%dma_start3A_48 : memref<125xi32, #tpu.memory_space<vmem>>) semaphore(%arg11 : memref<!tpu.dma_semaphore, #tpu.memory_space<semaphore_mem>>)
    %scan3A_52 = arith.constant 0 : i32
    %scan3A_53 = arith.constant 0 : i32
    %scan3A_54 = arith.constant 20 : i32
    %scan3A_55 = arith.addi %scan3A_53, %scan3A_54 : i32
    %scan3A_56 = arith.constant 1 : i32
    %scan3A_57 = scf.for %scan3A_64 = %scan3A_53 to %scan3A_55 step %scan3A_56 iter_args(%scan3A_65 = %scan3A_52) -> (i32)  : i32 {
      %mul3A_66 = arith.constant 2 : i32
      %mul3A_67 = arith.muli %mul3A_66, %scan3A_64 : i32
      %mul3A_68 = arith.constant 2 : i32
      %mul3A_69 = arith.muli %mul3A_68, %scan3A_64 : i32
      %add3A_70 = arith.constant 1 : i32
      %add3A_71 = arith.addi %mul3A_69, %add3A_70 : i32
      %dma_wait3A = arith.constant 0 : i32
      %dma_wait3A_72 = tpu.memref_slice %arg6[%mul3A_67, %dma_wait3A] : memref<40x125xi32, #tpu.memory_space<vmem>> -> memref<1x125xi32, #tpu.memory_space<vmem>>
      %dma_wait3A_73 = tpu.memref_squeeze %dma_wait3A_72 : memref<1x125xi32, #tpu.memory_space<vmem>> -> memref<125xi32, #tpu.memory_space<vmem>>
      %dma_wait3A_74 = arith.constant 0 : i32
      %dma_wait3A_75 = arith.constant 0 : i32
      %dma_wait3A_76 = tpu.memref_slice %arg2[%dma_wait3A_74, %dma_wait3A_75] : memref<10000x128xf32, #tpu.memory_space<hbm>> -> memref<10000x128xf32, #tpu.memory_space<hbm>>
      tpu.wait_indirect_dma semaphore(%arg10 : memref<!tpu.dma_semaphore, #tpu.memory_space<semaphore_mem>>) src(%dma_wait3A_76 : memref<10000x128xf32, #tpu.memory_space<hbm>>) dst(%arg8 : memref<125x128xf32, #tpu.memory_space<vmem>>)
      "tpu.region"() ({
        %run_scoped3A = tpu.sem_alloc : memref<!tpu.dma_semaphore, #tpu.memory_space<semaphore_mem>>
        %dma_start3A_95 = arith.constant 0 : i32
        %dma_start3A_96 = tpu.memref_slice %arg7[%mul3A_67, %dma_start3A_95] : memref<40x125xi32, #tpu.memory_space<vmem>> -> memref<1x125xi32, #tpu.memory_space<vmem>>
        %dma_start3A_97 = tpu.memref_squeeze %dma_start3A_96 : memref<1x125xi32, #tpu.memory_space<vmem>> -> memref<125xi32, #tpu.memory_space<vmem>>
        %dma_start3A_98 = arith.constant 0 : i32
        %dma_start3A_99 = arith.constant 0 : i32
        %dma_start3A_100 = tpu.memref_slice %arg12[%dma_start3A_98, %dma_start3A_99] : memref<10240x128xf32, #tpu.memory_space<vmem_shared>> -> memref<10240x128xf32, #tpu.memory_space<vmem_shared>>
        tpu.enqueue_indirect_dma source(%arg8 : memref<125x128xf32, #tpu.memory_space<vmem>>) target(%dma_start3A_100 : memref<10240x128xf32, #tpu.memory_space<vmem_shared>>) offsets(%dma_start3A_97 : memref<125xi32, #tpu.memory_space<vmem>>) semaphore(%run_scoped3A : memref<!tpu.dma_semaphore, #tpu.memory_space<semaphore_mem>>) {add = true}
        %dma_wait3A_101 = arith.constant 0 : i32
        %dma_wait3A_102 = tpu.memref_slice %arg7[%mul3A_67, %dma_wait3A_101] : memref<40x125xi32, #tpu.memory_space<vmem>> -> memref<1x125xi32, #tpu.memory_space<vmem>>
        %dma_wait3A_103 = tpu.memref_squeeze %dma_wait3A_102 : memref<1x125xi32, #tpu.memory_space<vmem>> -> memref<125xi32, #tpu.memory_space<vmem>>
        %dma_wait3A_104 = arith.constant 0 : i32
        %dma_wait3A_105 = arith.constant 0 : i32
        %dma_wait3A_106 = tpu.memref_slice %arg12[%dma_wait3A_104, %dma_wait3A_105] : memref<10240x128xf32, #tpu.memory_space<vmem_shared>> -> memref<10240x128xf32, #tpu.memory_space<vmem_shared>>
        tpu.wait_indirect_dma semaphore(%run_scoped3A : memref<!tpu.dma_semaphore, #tpu.memory_space<semaphore_mem>>) src(%arg8 : memref<125x128xf32, #tpu.memory_space<vmem>>) dst(%dma_wait3A_106 : memref<10240x128xf32, #tpu.memory_space<vmem_shared>>)
        tpu.yield
      }) : () -> ()
      %add3A_77 = arith.constant 2 : i32
      %add3A_78 = arith.addi %mul3A_67, %add3A_77 : i32
      %lt3A = arith.constant 40 : i32
      %lt3A_79 = arith.cmpi slt, %add3A_78, %lt3A : i32
      %convert_element_type3A = arith.extui %lt3A_79 : i1 to i32
      %cond3A = arith.constant 0 : i32
      %cond3A_80 = arith.cmpi ne, %convert_element_type3A, %cond3A : i32
      scf.if %cond3A_80 {
        %add3A_95 = arith.constant 2 : i32
        %add3A_96 = arith.addi %mul3A_67, %add3A_95 : i32
        %dma_start3A_97 = arith.constant 0 : i32
        %dma_start3A_98 = tpu.memref_slice %arg6[%add3A_96, %dma_start3A_97] : memref<40x125xi32, #tpu.memory_space<vmem>> -> memref<1x125xi32, #tpu.memory_space<vmem>>
        %dma_start3A_99 = tpu.memref_squeeze %dma_start3A_98 : memref<1x125xi32, #tpu.memory_space<vmem>> -> memref<125xi32, #tpu.memory_space<vmem>>
        %dma_start3A_100 = arith.constant 0 : i32
        %dma_start3A_101 = arith.constant 0 : i32
        %dma_start3A_102 = tpu.memref_slice %arg2[%dma_start3A_100, %dma_start3A_101] : memref<10000x128xf32, #tpu.memory_space<hbm>> -> memref<10000x128xf32, #tpu.memory_space<hbm>>
        tpu.enqueue_indirect_dma source(%dma_start3A_102 : memref<10000x128xf32, #tpu.memory_space<hbm>>) target(%arg8 : memref<125x128xf32, #tpu.memory_space<vmem>>) offsets(%dma_start3A_99 : memref<125xi32, #tpu.memory_space<vmem>>) semaphore(%arg10 : memref<!tpu.dma_semaphore, #tpu.memory_space<semaphore_mem>>)
      } else {
      }
      %dma_wait3A_81 = arith.constant 0 : i32
      %dma_wait3A_82 = tpu.memref_slice %arg6[%add3A_71, %dma_wait3A_81] : memref<40x125xi32, #tpu.memory_space<vmem>> -> memref<1x125xi32, #tpu.memory_space<vmem>>
      %dma_wait3A_83 = tpu.memref_squeeze %dma_wait3A_82 : memref<1x125xi32, #tpu.memory_space<vmem>> -> memref<125xi32, #tpu.memory_space<vmem>>
      %dma_wait3A_84 = arith.constant 0 : i32
      %dma_wait3A_85 = arith.constant 0 : i32
      %dma_wait3A_86 = tpu.memref_slice %arg2[%dma_wait3A_84, %dma_wait3A_85] : memref<10000x128xf32, #tpu.memory_space<hbm>> -> memref<10000x128xf32, #tpu.memory_space<hbm>>
      tpu.wait_indirect_dma semaphore(%arg11 : memref<!tpu.dma_semaphore, #tpu.memory_space<semaphore_mem>>) src(%dma_wait3A_86 : memref<10000x128xf32, #tpu.memory_space<hbm>>) dst(%arg9 : memref<125x128xf32, #tpu.memory_space<vmem>>)
      "tpu.region"() ({
        %run_scoped3A = tpu.sem_alloc : memref<!tpu.dma_semaphore, #tpu.memory_space<semaphore_mem>>
        %dma_start3A_95 = arith.constant 0 : i32
        %dma_start3A_96 = tpu.memref_slice %arg7[%add3A_71, %dma_start3A_95] : memref<40x125xi32, #tpu.memory_space<vmem>> -> memref<1x125xi32, #tpu.memory_space<vmem>>
        %dma_start3A_97 = tpu.memref_squeeze %dma_start3A_96 : memref<1x125xi32, #tpu.memory_space<vmem>> -> memref<125xi32, #tpu.memory_space<vmem>>
        %dma_start3A_98 = arith.constant 0 : i32
        %dma_start3A_99 = arith.constant 0 : i32
        %dma_start3A_100 = tpu.memref_slice %arg12[%dma_start3A_98, %dma_start3A_99] : memref<10240x128xf32, #tpu.memory_space<vmem_shared>> -> memref<10240x128xf32, #tpu.memory_space<vmem_shared>>
        tpu.enqueue_indirect_dma source(%arg9 : memref<125x128xf32, #tpu.memory_space<vmem>>) target(%dma_start3A_100 : memref<10240x128xf32, #tpu.memory_space<vmem_shared>>) offsets(%dma_start3A_97 : memref<125xi32, #tpu.memory_space<vmem>>) semaphore(%run_scoped3A : memref<!tpu.dma_semaphore, #tpu.memory_space<semaphore_mem>>) {add = true}
        %dma_wait3A_101 = arith.constant 0 : i32
        %dma_wait3A_102 = tpu.memref_slice %arg7[%add3A_71, %dma_wait3A_101] : memref<40x125xi32, #tpu.memory_space<vmem>> -> memref<1x125xi32, #tpu.memory_space<vmem>>
        %dma_wait3A_103 = tpu.memref_squeeze %dma_wait3A_102 : memref<1x125xi32, #tpu.memory_space<vmem>> -> memref<125xi32, #tpu.memory_space<vmem>>
        %dma_wait3A_104 = arith.constant 0 : i32
        %dma_wait3A_105 = arith.constant 0 : i32
        %dma_wait3A_106 = tpu.memref_slice %arg12[%dma_wait3A_104, %dma_wait3A_105] : memref<10240x128xf32, #tpu.memory_space<vmem_shared>> -> memref<10240x128xf32, #tpu.memory_space<vmem_shared>>
        tpu.wait_indirect_dma semaphore(%run_scoped3A : memref<!tpu.dma_semaphore, #tpu.memory_space<semaphore_mem>>) src(%arg9 : memref<125x128xf32, #tpu.memory_space<vmem>>) dst(%dma_wait3A_106 : memref<10240x128xf32, #tpu.memory_space<vmem_shared>>)
        tpu.yield
      }) : () -> ()
      %add3A_87 = arith.constant 2 : i32
      %add3A_88 = arith.addi %add3A_71, %add3A_87 : i32
      %lt3A_89 = arith.constant 40 : i32
      %lt3A_90 = arith.cmpi slt, %add3A_88, %lt3A_89 : i32
      %convert_element_type3A_91 = arith.extui %lt3A_90 : i1 to i32
      %cond3A_92 = arith.constant 0 : i32
      %cond3A_93 = arith.cmpi ne, %convert_element_type3A_91, %cond3A_92 : i32
      scf.if %cond3A_93 {
        %add3A_95 = arith.constant 2 : i32
        %add3A_96 = arith.addi %add3A_71, %add3A_95 : i32
        %dma_start3A_97 = arith.constant 0 : i32
        %dma_start3A_98 = tpu.memref_slice %arg6[%add3A_96, %dma_start3A_97] : memref<40x125xi32, #tpu.memory_space<vmem>> -> memref<1x125xi32, #tpu.memory_space<vmem>>
        %dma_start3A_99 = tpu.memref_squeeze %dma_start3A_98 : memref<1x125xi32, #tpu.memory_space<vmem>> -> memref<125xi32, #tpu.memory_space<vmem>>
        %dma_start3A_100 = arith.constant 0 : i32
        %dma_start3A_101 = arith.constant 0 : i32
        %dma_start3A_102 = tpu.memref_slice %arg2[%dma_start3A_100, %dma_start3A_101] : memref<10000x128xf32, #tpu.memory_space<hbm>> -> memref<10000x128xf32, #tpu.memory_space<hbm>>
        tpu.enqueue_indirect_dma source(%dma_start3A_102 : memref<10000x128xf32, #tpu.memory_space<hbm>>) target(%arg9 : memref<125x128xf32, #tpu.memory_space<vmem>>) offsets(%dma_start3A_99 : memref<125xi32, #tpu.memory_space<vmem>>) semaphore(%arg11 : memref<!tpu.dma_semaphore, #tpu.memory_space<semaphore_mem>>)
      } else {
      }
      %scan3A_94 = arith.constant 0 : i32
      scf.yield %scan3A_94 : i32
    }
    %scan3A_58 = arith.constant 20 : i32
    %barrier3A_59 = arith.constant 0 : index
    tpu.barrier barrier_id(%barrier3A_59)
    %mul3A_60 = arith.constant 640 : i32
    %mul3A_61 = arith.muli %arg1, %mul3A_60 : i32
    %mul3A_62 = arith.constant 640 : i32
    %mul3A_63 = arith.muli %arg1, %mul3A_62 : i32
    "tpu.region"() ({
      %run_scoped3A = tpu.sem_alloc : memref<!tpu.dma_semaphore, #tpu.memory_space<semaphore_mem>>
      %dma_start3A_64 = arith.constant 0 : i32
      %dma_start3A_65 = tpu.memref_slice %arg5[%arg0, %mul3A_63, %dma_start3A_64] : memref<2x10240x128xf32, #tpu.memory_space<hbm>> -> memref<1x640x128xf32, #tpu.memory_space<hbm>>
      %dma_start3A_66 = tpu.memref_squeeze %dma_start3A_65 : memref<1x640x128xf32, #tpu.memory_space<hbm>> -> memref<640x128xf32, #tpu.memory_space<hbm>>
      %dma_start3A_67 = arith.constant 0 : i32
      %dma_start3A_68 = tpu.memref_slice %arg12[%mul3A_61, %dma_start3A_67] : memref<10240x128xf32, #tpu.memory_space<vmem_shared>> -> memref<640x128xf32, #tpu.memory_space<vmem_shared>>
      tpu.enqueue_dma source(%dma_start3A_68 : memref<640x128xf32, #tpu.memory_space<vmem_shared>>) target(%dma_start3A_66 : memref<640x128xf32, #tpu.memory_space<hbm>>) target_semaphore(%run_scoped3A : memref<!tpu.dma_semaphore, #tpu.memory_space<semaphore_mem>>)
      %dma_wait3A = arith.constant 0 : i32
      %dma_wait3A_69 = tpu.memref_slice %arg5[%arg0, %mul3A_63, %dma_wait3A] : memref<2x10240x128xf32, #tpu.memory_space<hbm>> -> memref<1x640x128xf32, #tpu.memory_space<hbm>>
      %dma_wait3A_70 = tpu.memref_squeeze %dma_wait3A_69 : memref<1x640x128xf32, #tpu.memory_space<hbm>> -> memref<640x128xf32, #tpu.memory_space<hbm>>
      %dma_wait3A_71 = arith.constant 0 : i32
      %dma_wait3A_72 = tpu.memref_slice %arg12[%mul3A_61, %dma_wait3A_71] : memref<10240x128xf32, #tpu.memory_space<vmem_shared>> -> memref<640x128xf32, #tpu.memory_space<vmem_shared>>
      tpu.wait_dma2 semaphore(%run_scoped3A : memref<!tpu.dma_semaphore, #tpu.memory_space<semaphore_mem>>) src(%dma_wait3A_72 : memref<640x128xf32, #tpu.memory_space<vmem_shared>>) dst(%dma_wait3A_70 : memref<640x128xf32, #tpu.memory_space<hbm>>)
      tpu.yield
    }) : () -> ()
    return
  }
}

module attributes {stable_mosaic.version = 14 : i64} {
  func.func @_final_tc_body(%arg0: i32, %arg1: memref<2x2048x128xf32, #tpu.memory_space<vmem>>, %arg2: memref<2048xf32, #tpu.memory_space<vmem>>, %arg3: memref<128xf32, #tpu.memory_space<vmem>>, %arg4: memref<2048x128xf32, #tpu.memory_space<vmem>>) attributes {dimension_semantics = [#tpu.dimension_semantics<arbitrary>], iteration_bounds = array<i64: 5>, scalar_prefetch = 0 : i64, scratch_operands = 0 : i64, tpu.core_type = #tpu.core_type<tc>, window_params = [{transform_indices = @transform_0, window_bounds = array<i64: 2, 2048, 128>}, {transform_indices = @transform_1, window_bounds = array<i64: 2048>}, {pipeline_mode = #tpu.pipeline_mode<synchronous>, transform_indices = @transform_2, window_bounds = array<i64: 128>}, {transform_indices = @transform_3, window_bounds = array<i64: 2048, 128>}]} {
    %get3A = arith.constant 0 : index
    %get3A_0 = arith.constant 0 : index
    %get3A_1 = arith.constant 0 : index
    %get3A_2 = vector.load %arg1[%get3A, %get3A_0, %get3A_1] : memref<2x2048x128xf32, #tpu.memory_space<vmem>>, vector<1x2048x128xf32>
    %get3A_3 = vector.shape_cast %get3A_2 : vector<1x2048x128xf32> to vector<2048x128xf32>
    %get3A_4 = arith.constant 1 : index
    %get3A_5 = arith.constant 0 : index
    %get3A_6 = arith.constant 0 : index
    %get3A_7 = vector.load %arg1[%get3A_4, %get3A_5, %get3A_6] : memref<2x2048x128xf32, #tpu.memory_space<vmem>>, vector<1x2048x128xf32>
    %get3A_8 = vector.shape_cast %get3A_7 : vector<1x2048x128xf32> to vector<2048x128xf32>
    %add3A = arith.addf %get3A_3, %get3A_8 : vector<2048x128xf32>
    %get3A_9 = arith.constant 0 : index
    %get3A_10 = vector.load %arg2[%get3A_9] : memref<2048xf32, #tpu.memory_space<vmem>>, vector<2048xf32>
    %broadcast_in_dim3A = vector.shape_cast %get3A_10 : vector<2048xf32> to vector<2048x1xf32>
    %mul3A = vector.broadcast %broadcast_in_dim3A : vector<2048x1xf32> to vector<2048x128xf32>
    %mul3A_11 = arith.mulf %add3A, %mul3A : vector<2048x128xf32>
    %get3A_12 = arith.constant 0 : index
    %get3A_13 = vector.load %arg3[%get3A_12] : memref<128xf32, #tpu.memory_space<vmem>>, vector<128xf32>
    %broadcast_in_dim3A_14 = vector.shape_cast %get3A_13 : vector<128xf32> to vector<1x128xf32>
    %add3A_15 = vector.broadcast %broadcast_in_dim3A_14 : vector<1x128xf32> to vector<2048x128xf32>
    %add3A_16 = arith.addf %mul3A_11, %add3A_15 : vector<2048x128xf32>
    %swap3A = arith.constant 0 : index
    %swap3A_17 = arith.constant 0 : index
    %swap3A_18 = vector.load %arg4[%swap3A, %swap3A_17] : memref<2048x128xf32, #tpu.memory_space<vmem>>, vector<2048x128xf32>
    tpu.vector_store %arg4[%swap3A, %swap3A_17], %add3A_16 {strides = array<i32>} : memref<2048x128xf32, #tpu.memory_space<vmem>>, vector<2048x128xf32>,
    return
  }
  func.func @transform_0(%arg0: i32) -> (i32, i32, i32) {
    %c0_i32 = arith.constant 0 : i32
    %c0_i32_0 = arith.constant 0 : i32
    %c0_i32_1 = arith.constant 0 : i32
    return %c0_i32, %arg0, %c0_i32_0 : i32, i32, i32
  }
  func.func @transform_1(%arg0: i32) -> i32 {
    %c0_i32 = arith.constant 0 : i32
    return %arg0 : i32
  }
  func.func @transform_2(%arg0: i32) -> i32 {
    %c0_i32 = arith.constant 0 : i32
    %c0_i32_0 = arith.constant 0 : i32
    return %c0_i32 : i32
  }
  func.func @transform_3(%arg0: i32) -> (i32, i32) {
    %c0_i32 = arith.constant 0 : i32
    %c0_i32_0 = arith.constant 0 : i32
    return %arg0, %c0_i32 : i32, i32
  }
}

module attributes {stable_mosaic.version = 14 : i64} {
  func.func @_linear_tc_body(%arg0: i32, %arg1: memref<2048xf32, #tpu.memory_space<vmem>>, %arg2: memref<2048x128xf32, #tpu.memory_space<vmem>>, %arg3: memref<128x128xf32, #tpu.memory_space<vmem>>, %arg4: memref<2048x128xf32, #tpu.memory_space<vmem>>) attributes {dimension_semantics = [#tpu.dimension_semantics<arbitrary>], iteration_bounds = array<i64: 5>, scalar_prefetch = 0 : i64, scratch_operands = 0 : i64, tpu.core_type = #tpu.core_type<tc>, window_params = [{transform_indices = @transform_0, window_bounds = array<i64: 2048>}, {transform_indices = @transform_1, window_bounds = array<i64: 2048, 128>}, {pipeline_mode = #tpu.pipeline_mode<synchronous>, transform_indices = @transform_2, window_bounds = array<i64: 128, 128>}, {transform_indices = @transform_3, window_bounds = array<i64: 2048, 128>}]} {
    %get3A = arith.constant 0 : index
    %get3A_0 = vector.load %arg1[%get3A] : memref<2048xf32, #tpu.memory_space<vmem>>, vector<2048xf32>
    %get3A_1 = arith.constant 0 : index
    %get3A_2 = arith.constant 0 : index
    %get3A_3 = vector.load %arg2[%get3A_1, %get3A_2] : memref<2048x128xf32, #tpu.memory_space<vmem>>, vector<2048x128xf32>
    %broadcast_in_dim3A = vector.shape_cast %get3A_0 : vector<2048xf32> to vector<2048x1xf32>
    %mul3A = vector.broadcast %broadcast_in_dim3A : vector<2048x1xf32> to vector<2048x128xf32>
    %mul3A_4 = arith.mulf %get3A_3, %mul3A : vector<2048x128xf32>
    %get3A_5 = arith.constant 0 : index
    %get3A_6 = arith.constant 0 : index
    %get3A_7 = vector.load %arg3[%get3A_5, %get3A_6] : memref<128x128xf32, #tpu.memory_space<vmem>>, vector<128x128xf32>
    %dot_general3A = arith.constant dense<0.000000e+00> : vector<2048x128xf32>
    %dot_general3A_8 = tpu.matmul %mul3A_4, %get3A_7, %dot_general3A {dimension_numbers = #tpu.dot_dimension_numbers<[1], [0], [0], [1], [0, 0, 1, 1], [], []>, transpose_lhs_hint = false} : vector<2048x128xf32>, vector<128x128xf32>, vector<2048x128xf32> -> vector<2048x128xf32>
    %swap3A = arith.constant 0 : index
    %swap3A_9 = arith.constant 0 : index
    %swap3A_10 = vector.load %arg4[%swap3A, %swap3A_9] : memref<2048x128xf32, #tpu.memory_space<vmem>>, vector<2048x128xf32>
    tpu.vector_store %arg4[%swap3A, %swap3A_9], %dot_general3A_8 {strides = array<i32>} : memref<2048x128xf32, #tpu.memory_space<vmem>>, vector<2048x128xf32>,
    return
  }
  func.func @transform_0(%arg0: i32) -> i32 {
    %c0_i32 = arith.constant 0 : i32
    return %arg0 : i32
  }
  func.func @transform_1(%arg0: i32) -> (i32, i32) {
    %c0_i32 = arith.constant 0 : i32
    %c0_i32_0 = arith.constant 0 : i32
    return %arg0, %c0_i32 : i32, i32
  }
  func.func @transform_2(%arg0: i32) -> (i32, i32) {
    %c0_i32 = arith.constant 0 : i32
    %c0_i32_0 = arith.constant 0 : i32
    %c0_i32_1 = arith.constant 0 : i32
    return %c0_i32, %c0_i32_0 : i32, i32
  }
  func.func @transform_3(%arg0: i32) -> (i32, i32) {
    %c0_i32 = arith.constant 0 : i32
    %c0_i32_0 = arith.constant 0 : i32
    return %arg0, %c0_i32 : i32, i32
  }
}

</mosaic_0001>

<sc_bundles>
// kernel: kernel.6.cloned.1.call-start
scs
__scs_entry_jumppad:
0x0: {  	(pc) =	sbr.rel $0x88, $3  }
0x1: {  	(tag) =	ssettag $0x0;
	lr =	simm.s32 $0x1  }
0x2: {  	[smem:$0x3F9D] =	sst lr;
	_ =	strace $0xD0000000  }
0x3: {  	_ = 	snop  }
0x4: {  	_ = 	snop  }
0x5: {  	_ = 	snop  }
0x6: {  	_ = 	snop  }
0x7: {  	_ = 	snop  }
__scs_overlays_trampoline_lowered:
0x8: {  	[smem:$0x3FAC] =	sst s0  }
0x9: {  	[smem:$0x3FAD] =	sst s1  }
0xa: {  	[smem:$0x3FAE] =	sst s2  }
0xb: {  	[smem:$0x3FAF] =	sst s3  }
0xc: {  	[smem:$0x3FB0] =	sst s4  }
0xd: {  	[smem:$0x3FB1] =	sst s5  }
0xe: {  	[smem:$0x3FB2] =	sst s6  }
0xf: {  	[smem:$0x3FB3] =	sst s7  }
0x10: {  	[smem:$0x3FB4] =	sst s8  }
0x11: {  	[smem:$0x3FB5] =	sst s9;
	s0 =	simm.s32 @!p0 $0x0  }
0x12: {  	s1 =	sld [smem:$0x3F9B];
	s0 =	simm.s32 @p0 $0x1  }
0x13: {  	[smem:$0x3FB6] =	sst s0;
	s0 =	simm.s32 @!p1 $0x0  }
0x14: {  	s2 =	sld [smem:$0x3F9A];
	s0 =	simm.s32 @p1 $0x1  }
0x15: {  	[smem:$0x3FB7] =	sst s0;
	s0 =	simm.s32 @!p2 $0x0  }
0x16: {  	s3 =	sld [smem:$0x3FDB];
	s0 =	simm.s32 @p2 $0x1  }
0x17: {  	s4 =	simm.s32 $0x1BF5;
	[smem:$0x3FB9] =	sst s0  }
0x18: {  	s0 =	sld [smem:$0x3F9C];
	_ =	swait.ge [sflag:s4], $0x0  }
0x19: {  	s7 =	sld [smem:$0x3F9D]  }
0x1a: {  	s8 =	sadd.s32 $0xFFFFE003, lr  }
0x1b: {  	s9 =	sadd.s32 $0xFFFFFEF7, lr;
	s5 =	simm.s32 $0xFFFFFFFF;
	p2 =	slt.u32 s8, $0xFFFFF086  }
0x1c: {  	p1 =	slt.u32 s9, $0xF7A;
	s5 =	simm.s32 @!p2 $0x0  }
0x1d: {  	s5 =	simm.s32 @p1 $0x1;
	p0 =	seq.s32 s7, s2  }
0x1e: {  	s7 =	smul.u32 @!p0 $0xF7A, s2;
	p2 =	seq.s32 @!p0 s5, $0x0  }
0x1f: {  	s9 =	smul.u32 $0xF7A, s1;
	s8 =	simm.s32 @!p0 $0x1BF5;
	p2 =	por !p2, p0  }
0x20: {  	[sflag:s8] =	ssyncset.s32 @!p0 $0xFFFFF086;
	s6 =	sadd.s32 @!p0 s3, s7;
	s7 =	simm.s32 @!p0 $0x108  }
0x21: {  	s3 =	sadd.s32 s3, s9;
	s6 =	sadd.s32 @!p0 $0x88, s6;
	s7 =	simm.s32 @p2 $0x1082  }
0x22: {  	[simem:s7], [sflag:s8] =	dma.local @!p0 [hbm:s6], $0xF7A  }
0x23: {  	s9 =	sor.u32 $0xD0000000, s2;
	s6 =	simm.s32 $0x108;
	_ =	swait.ge @!p0 [sflag:s8], $0x0  }
0x24: {  	s3 =	sadd.s32 $0x88, s3;
	s6 =	simm.s32 @!p1 $0x1082;
	[sflag:s4] =	ssyncset.s32 $0xFFFFF086  }
0x25: {  	[simem:s6], [sflag:s4] =	dma.local [hbm:s3], $0xF7A  }
0x26: {  	[smem:$0x3F9D] =	sst s1;
	(tag) =	ssettag s2;
	_ =	strace s9  }
0x27: {  	s1 =	sld [smem:$0x3FAD]  }
0x28: {  	s2 =	sld [smem:$0x3FAE]  }
0x29: {  	s4 =	sld [smem:$0x3FB0]  }
0x2a: {  	p0 =	seq.s32 s5, $0x0;
	s5 =	sld [smem:$0x3FB1]  }
0x2b: {  	s6 =	sld [smem:$0x3FB2]  }
0x2c: {  	s7 =	sld [smem:$0x3FB3]  }
0x2d: {  	s3 =	simm.s32 $0x108;
	s8 =	sld [smem:$0x3FB4]  }
0x2e: {  	s3 =	simm.s32 @!p0 $0x1082;
	s9 =	sld [smem:$0x3FB5]  }
0x2f: {  	lr =	sadd.s32 s0, s3;
	s0 =	sld [smem:$0x3FAC]  }
0x30: {  	s3 =	sld [smem:$0x3FAF]  }
0x31: {  	[smem:$0x3FB8] =	sst s10  }
0x32: {  	s10 =	sld [smem:$0x3FB6];
	_ =	sdelay $0x3  }
0x33: {  	p0 =	seq.s32 s10, $0x1;
	s10 =	sld [smem:$0x3FB8];
	_ =	sdelay $0x3  }
0x34: {  	[smem:$0x3FB8] =	sst s10  }
0x35: {  	s10 =	sld [smem:$0x3FB7];
	_ =	sdelay $0x3  }
0x36: {  	p1 =	seq.s32 s10, $0x1;
	s10 =	sld [smem:$0x3FB8];
	_ =	sdelay $0x3  }
0x37: {  	[smem:$0x3FB8] =	sst s10  }
0x38: {  	s10 =	sld [smem:$0x3FB9]  }
0x39: {  	_ = 	snop;
	(pc) =	sbr.ind lr, $3  }
0x3a: {  	_ = 	snop  }
0x3b: {  	_ = 	snop  }
0x3c: {  	p2 =	seq.s32 s10, $0x1;
	s10 =	sld [smem:$0x3FB8]  }
0x3d: {  	_ =	shalt  }
0x3e: {  	_ =	shalt  }
0x3f: {  	_ =	shalt  }
0x40: {  	_ =	shalt  }
0x41: {  	_ =	shalt  }
0x42: {  	_ =	shalt  }
0x43: {  	_ =	shalt  }
0x44: {  	_ =	shalt  }
0x45: {  	_ =	shalt  }
0x46: {  	_ =	shalt  }
0x47: {  	_ =	shalt  }
0x48: {  	_ =	shalt  }
0x49: {  	_ =	shalt  }
0x4a: {  	_ =	shalt  }
0x4b: {  	_ =	shalt  }
0x4c: {  	_ =	shalt  }
0x4d: {  	_ =	shalt  }
0x4e: {  	_ =	shalt  }
0x4f: {  	_ =	shalt  }
0x50: {  	_ =	shalt  }
0x51: {  	_ =	shalt  }
0x52: {  	_ =	shalt  }
0x53: {  	_ =	shalt  }
0x54: {  	_ =	shalt  }
0x55: {  	_ =	shalt  }
0x56: {  	_ =	shalt  }
0x57: {  	_ =	shalt  }
0x58: {  	_ =	shalt  }
0x59: {  	_ =	shalt  }
0x5a: {  	_ =	shalt  }
0x5b: {  	_ =	shalt  }
0x5c: {  	_ =	shalt  }
0x5d: {  	_ =	shalt  }
0x5e: {  	_ =	shalt  }
0x5f: {  	_ =	shalt  }
0x60: {  	_ =	shalt  }
0x61: {  	_ =	shalt  }
0x62: {  	_ =	shalt  }
0x63: {  	_ =	shalt  }
0x64: {  	_ =	shalt  }
0x65: {  	_ =	shalt  }
0x66: {  	_ =	shalt  }
0x67: {  	_ =	shalt  }
0x68: {  	_ =	shalt  }
0x69: {  	_ =	shalt  }
0x6a: {  	_ =	shalt  }
0x6b: {  	_ =	shalt  }
0x6c: {  	_ =	shalt  }
0x6d: {  	_ =	shalt  }
0x6e: {  	_ =	shalt  }
0x6f: {  	_ =	shalt  }
0x70: {  	_ =	shalt  }
0x71: {  	_ =	shalt  }
0x72: {  	_ =	shalt  }
0x73: {  	_ =	shalt  }
0x74: {  	_ =	shalt  }
0x75: {  	_ =	shalt  }
0x76: {  	_ =	shalt  }
0x77: {  	_ =	shalt  }
0x78: {  	_ =	shalt  }
0x79: {  	_ =	shalt  }
0x7a: {  	_ =	shalt  }
0x7b: {  	_ =	shalt  }
0x7c: {  	_ =	shalt  }
0x7d: {  	_ =	shalt  }
0x7e: {  	_ =	shalt  }
0x7f: {  	_ =	shalt  }
0x80: {  	_ =	shalt  }
0x81: {  	_ =	shalt  }
0x82: {  	_ =	shalt  }
0x83: {  	_ =	shalt  }
0x84: {  	_ =	shalt  }
0x85: {  	_ =	shalt  }
0x86: {  	_ =	shalt  }
0x87: {  	_ =	shalt  }
.Lfunc_end0:
.L_simem_size_0:
called_computation_lowered:
.L_overlay_start_0:
0x88: {  	s2 =	sld [smem:$0x3FD9]  }
0x89: {  	s3 =	sld [smem:$0x3FFE];
	_ =	sdelay $0x1  }
0x8a: {  	s1 =	srdreg.scid  }
0x8b: {  	s0 =	sand.u32 $0x1, s1  }
0x8c: {  	s17 =	sshll.u32 s0, $0xA;
	s2 =	sadd.s32 s3, s2  }
0x8d: {  	s2 =	sadd.s32 s2, s17  }
0x8e: {  	[smem:$0x3FC4] =	sst s2  }
0x8f: {  	_ = 	snop  }
0x90: {  	s2 =	sld [smem:$0x3FD0];
	(tm) =	ssettm $0x1  }
0x91: {  	s18 =	sld [smem:$0x3FFB];
	_ =	sdelay $0x3  }
0x92: {  	_ =	strace s18  }
0x93: {  	s3 =	sld [smem:$0x3FFC];
	_ =	sdelay $0x3  }
0x94: {  	_ =	strace s3  }
0x95: {  	s3 =	sld [smem:$0x3FFD];
	_ =	sdelay $0x3  }
0x96: {  	_ =	strace s3  }
0x97: {  	_ =	strace $0x8FFFFFFF  }
0x98: {  	s19 =	sld [smem:$0x3FDB];
	_ =	sdelay $0x1  }
0x99: {  	s4 =	simm.s32 $_scs_section_size  }
0x9a: {  	s5 =	simm.s32 $_size__tile_overlayer_lowered;
	s6 =	simm.s32 $_tile_overlayer_lowered  }
0x9b: {  	s22 =	simm.s32 $0x1BFF;
	s21 =	sshll.u32 s6, $0x1;
	s3 =	sadd.s32 s4, s19  }
0x9c: {  	s7 =	simm.s32 $0x0;
	s20 =	sshll.u32 s5, $0x1;
	s5 =	sadd.s32 s21, s3  }
0x9d: {  	[timem:s7], [sflag:s22] =	dma.local [hbm:s5], s20  }
0x9e: {  	_ =	swait.ge [sflag:s22], s20  }
0x9f: {  	s4 =	ssub.s32 $0x0, s20;
	[sflag:s22] =	ssyncset.done $0x0  }
0xa0: {  	[sflag:s22] =	ssyncadd.s32 s4;
	_ =	sdelay $0x1  }
0xa1: {  	s23 =	simm.s32 $0x1B8B  }
0xa2: {  	_ =	swait.ge [sflag:s23], $0x1  }
0xa3: {  	[sflag:s23] =	ssyncset.done $0x0  }
0xa4: {  	s25 =	simm.s32 $0x1B8E;
	s24 =	sld [smem:$0x3FFE];
	[sflag:s23] =	ssyncadd.s32 $0xFFFFFFFF  }
0xa5: {  	s26 =	simm.s32 $execute0_lowered;
	[smem:$0x3FD2] =	sst s25  }
0xa6: {  	s5 =	sshll.u32 s26, $0x1;
	_ =	strace $0x80000046;
	[dreg:$0x1] =	wrdreg $0xFFFFFFFF  }
0xa7: {  	s28 =	simm.s32 $_size_execute0_lowered;
	s3 =	sadd.s32 s3, s5;
	[dreg:$0x0] =	wrdreg $0x0  }
0xa8: {  	s5 =	sshll.u32 s28, $0x1;
	[dreg:$0x2] =	wrdreg s3  }
0xa9: {  	[dreg:$0x3] =	wrdreg s5  }
0xaa: {  	[dreg:$0x4] =	wrdreg $0xC0  }
0xab: {  	_ =	task [dreg:s7], $0x5FFFF  }
0xac: {  	[dreg:$0x1] =	wrdreg $0xFFFFFFFF  }
0xad: {  	[dreg:$0x0] =	wrdreg $0x60  }
0xae: {  	[dreg:$0x2] =	wrdreg s24  }
0xaf: {  	[dreg:$0x3] =	wrdreg s2  }
0xb0: {  	[dreg:$0x4] =	wrdreg $0x2D800  }
0xb1: {  	[dreg:$0x5] =	wrdreg $0x9  }
0xb2: {  	_ =	task.clear_ibuf [dreg:s7], $0x6FFFF;
	_ =	strace $0x90000046  }
0xb3: {  	s29 =	simm.s32 $0x9;
	_ =	strace $0x80000048  }
0xb4: {  	_ =	swait.ge [sflag:s29], $0x1  }
0xb5: {  	[sflag:s29] =	ssyncadd.s32 $0xFFFFFFFF  }
0xb6: {  	_ =	strace $0x90000048  }
0xb7: {  	_ =	sfence  }
0xb8: {  	s30 =	sld [smem:$0x0];
	_ =	sdelay $0x2  }
0xb9: {  	s31 =	sshll.u32 s1, $0xD;
	s1 =	sshrl.u32 s1, $0x2  }
0xba: {  	s3 =	sand.u32 $0x4000, s31;
	s1 =	sadd.s32 s1, s30  }
0xbb: {  	s0 =	sor.u32 s3, s0;
	s1 =	sshll.u32 s1, $0x11  }
0xbc: {  	s0 =	sor.u32 s1, s0  }
0xbd: {  	s0 =	sadd.s32 $0x8F2B, s0  }
0xbe: {  	[sflag:s0] =	ssyncadd.remote.s32 $0x1  }
0xbf: {  	_ =	sfence.sel $0xFFFF  }
0xc0: {  	[dreg:$0x0] =	wrdreg $0xFFFFFFFF;
	(pc) =	sbr.abs _section_cstart, $3  }
0xc1: {  	[dreg:$0x1] =	wrdreg $0xFFFFFFFF  }
0xc2: {  	_ =	task.clear_ibuf [dreg:s7], $0x2FFFF;
	_ =	strace $0x9FFFFFFF  }
0xc3: {  	(tm) =	ssettm $0x7FFFFFFF  }
tec
execute0_lowered:
.L_overlay_start_1:
0x0: {  	(tag) =	ssettag $0x1  }
0x1: {  	s4 =	rddreg [dreg:$0x0]  }
0x2: {  	s5 =	rddreg [dreg:$0x1]  }
0x3: {  	s1 =	rddreg [dreg:$0x2]  }
0x4: {  	s0 =	rddreg [dreg:$0x3]  }
0x5: {  	s3 =	simm.s32 $0x0;
	s6 =	srdreg.scid;
	s2 =	stileid.u32  }
0x6: {  	s14 =	simm.s32 $0x2B00;
	s15 =	simm.s32 $0x0;
	[smem:$0x7FF] =	sst s3  }
0x7: {  	s6 =	sand.u32 $0x1, s6;
	s7 =	sadd.s32 $0xB800, s4;
	s9 =	smul.u32 $0x280, s2  }
0x8: {  	s10 =	sadd.s32 $0x1800, s4;
	s12 =	smul.u32 $0x2800, s2;
	s13 =	sadd.s32 $0x15800, s4  }
0x9: {  	s28 =	smul.u32 $0x500, s2;
	_ =	strace $0x80000047;
	s8 =	ssub.s32 $0x2, s6  }
0xa: {  	p0 =	seq.s32 s6, $0x0;
	s11 =	sshrl.u32 s8, $0x1;
	s4 =	sadd.s32 s9, s1  }
0xb: {  	s29 =	sshrl.u32 s12, $0x3;
	s10 =	smov.u32 @p0 s7;
	s30 =	sshrl.u32 s9, $0x3  }
0xc: {  	s13 =	smov.u32 @p0 s5;
	s9 =	simm.s32 $0x2880;
	s12 =	simm.s32 $0x2800  }
0xd: {  	s8 =	ssub.s32 s8, s11;
	s31 =	sadd.s32 s10, s29;
	s6 =	sadd.s32 s13, s30  }
0xe: {  	s7 =	sadd.s32 s10, s28;
	s10 =	simm.s32 $0x2;
	s11 =	simm.s32 $0x7D  }
0xf: {  	v0 =	vimm.f32 $1.000000000e+00;
	v1 =	vimm.f32 $0.0e+00;
	s13 =	simm.s32 $0x1;
	s5 =	smax.u32 s8, $0x1;
	s8 =	sadd.s32 $0x5000, s31  }
.LBB2_1:
0x10: {  	[tilespmem:$0x2800] =	vst v0  }
0x11: {  	[tilespmem:$0x2810] =	vst v0  }
0x12: {  	[tilespmem:$0x2820] =	vst v0  }
0x13: {  	[tilespmem:$0x2830] =	vst v0  }
0x14: {  	[tilespmem:$0x2840] =	vst v0  }
0x15: {  	[tilespmem:$0x2850] =	vst v0  }
0x16: {  	[tilespmem:$0x2860] =	vst v0  }
0x17: {  	[tilespmem:$0x2870] =	vst v0  }
0x18: {  	[tilespmem:$0x2880] =	vst v1  }
0x19: {  	[tilespmem:$0x2890] =	vst v1  }
0x1a: {  	[tilespmem:$0x28A0] =	vst v1  }
0x1b: {  	[tilespmem:$0x28B0] =	vst v1  }
0x1c: {  	[tilespmem:$0x28C0] =	vst v1  }
0x1d: {  	[tilespmem:$0x28D0] =	vst v1  }
0x1e: {  	[tilespmem:$0x28E0] =	vst v1  }
0x1f: {  	[tilespmem:$0x28F0] =	vst v1  }
0x20: {  	[tilespmem:$0x2900] =	vst v1  }
0x21: {  	[tilespmem:$0x2910] =	vst v1  }
0x22: {  	[tilespmem:$0x2920] =	vst v1  }
0x23: {  	[tilespmem:$0x2930] =	vst v1  }
0x24: {  	[tilespmem:$0x2940] =	vst v1  }
0x25: {  	[tilespmem:$0x2950] =	vst v1  }
0x26: {  	[tilespmem:$0x2960] =	vst v1  }
0x27: {  	[tilespmem:$0x2970] =	vst v1  }
0x28: {  	[tilespmem:$0x2980] =	vst v1  }
0x29: {  	[tilespmem:$0x2990] =	vst v1  }
0x2a: {  	[tilespmem:$0x29A0] =	vst v1  }
0x2b: {  	[tilespmem:$0x29B0] =	vst v1  }
0x2c: {  	[tilespmem:$0x29C0] =	vst v1  }
0x2d: {  	[tilespmem:$0x29D0] =	vst v1  }
0x2e: {  	[tilespmem:$0x29E0] =	vst v1  }
0x2f: {  	[tilespmem:$0x29F0] =	vst v1  }
0x30: {  	[tilespmem:$0x2A00] =	vst v1  }
0x31: {  	[tilespmem:$0x2A10] =	vst v1  }
0x32: {  	[tilespmem:$0x2A20] =	vst v1  }
0x33: {  	[tilespmem:$0x2A30] =	vst v1  }
0x34: {  	[tilespmem:$0x2A40] =	vst v1  }
0x35: {  	[tilespmem:$0x2A50] =	vst v1  }
0x36: {  	[tilespmem:$0x2A60] =	vst v1  }
0x37: {  	[tilespmem:$0x2A70] =	vst v1  }
0x38: {  	[tilespmem:$0x2A80] =	vst v1  }
0x39: {  	[tilespmem:$0x2A90] =	vst v1  }
0x3a: {  	[tilespmem:$0x2AA0] =	vst v1  }
0x3b: {  	[tilespmem:$0x2AB0] =	vst v1  }
0x3c: {  	[tilespmem:$0x2AC0] =	vst v1  }
0x3d: {  	[tilespmem:$0x2AD0] =	vst v1  }
0x3e: {  	[tilespmem:$0x2AE0] =	vst v1  }
0x3f: {  	[tilespmem:$0x2AF0] =	vst v1  }
0x40: {  	[spmem:s4] =	stream.linear.scatter [tilespmem:s9], [sflag:$0x2], $0x280, $0x38;
	[tilespmem:$0x3000] =	vst v63  }
0x41: {  	_ =	swait.ge [sflag:s10], $0x280  }
0x42: {  	[sflag:s10] =	ssyncset.done $0x0  }
0x43: {  	[sflag:s10] =	ssyncadd.s32 $0xFFFFFD80  }
0x44: {  	[bflag:$0x0] =	sbarrier.arrive $0xFFFF  }
0x45: {  	[tilespmem:s3], [sflag:$0x2] =	stream.linear.gather [hbm4b:s7+s3], $0x2800, $0x38;
	[tilespmem:$0x3000] =	vst v63  }
0x46: {  	_ =	swait.ge [sflag:s10], $0x2800  }
0x47: {  	[sflag:s10] =	ssyncset.done $0x0  }
0x48: {  	s16 =	simm.s32 $0x0;
	[sflag:s10] =	ssyncadd.s32 $0xFFFFD800  }
.LBB2_2:
0x49: {  	p0 =	sne.s32 s16, $0x9E00  }
.Ltmp0:
0x4a: {  	_ = 	snop;
	(pc) =	sbr.rel @p0 .LBB2_2-.Ltmp0, $3  }
0x4b: {  	_ =	sdelay $0x1  }
0x4c: {  	s17 =	sshra.s32 s16, $0x2;
	s16 =	sadd.s32 $0x200, s16  }
0x4d: {  	[spmem:s1] =	stream.indirect.scatter.add.f32 [tilespmem:s12], [sflag:$0x1], $0x1, s17, s11, $0xb8;
	[tilespmem:$0x3000] =	vst v63  }
0x4e: {  	_ =	swait.ge [sflag:s13], $0x7D  }
0x4f: {  	s16 =	simm.s32 $0x4F;
	[sflag:s13] =	ssyncset.done $0x0  }
.LBB2_4:
0x50: {  	p0 =	sne.s32 s16, $0x1;
	s16 =	sadd.s32 $0xFFFFFFFF, s16;
	[sflag:s13] =	ssyncadd.s32 $0xFFFFFF83  }
.Ltmp1:
0x51: {  	(pc) =	sbr.rel @p0 .LBB2_4-.Ltmp1, $3  }
0x52: {  	_ =	sdelay $0x1  }
0x53: {  	_ =	swait.ge [sflag:s13], $0x7D  }
0x54: {  	[sflag:s13] =	ssyncset.done $0x0  }
0x55: {  	[sflag:s13] =	ssyncadd.s32 $0xFFFFFF83;
	s16 =	simm.s32 $0x0  }
0x56: {  	[tilespmem:s16], [sflag:$0x2] =	stream.linear.gather [hbm4b:s8+s16], $0x2800, $0x38;
	[tilespmem:$0x3000] =	vst v63  }
0x57: {  	_ =	swait.ge [sflag:s10], $0x2800  }
0x58: {  	[sflag:s10] =	ssyncset.done $0x0  }
0x59: {  	[sflag:s10] =	ssyncadd.s32 $0xFFFFD800  }
.LBB2_6:
0x5a: {  	p0 =	sne.s32 s16, $0x9E00  }
.Ltmp2:
0x5b: {  	_ = 	snop;
	(pc) =	sbr.rel @p0 .LBB2_6-.Ltmp2, $3  }
0x5c: {  	_ =	sdelay $0x1  }
0x5d: {  	s17 =	sshra.s32 s16, $0x2;
	s16 =	sadd.s32 $0x200, s16  }
0x5e: {  	[spmem:s1] =	stream.indirect.scatter.add.f32 [tilespmem:s12], [sflag:$0x1], $0x1, s17, s11, $0xb8;
	[tilespmem:$0x3000] =	vst v63  }
0x5f: {  	_ =	swait.ge [sflag:s13], $0x7D  }
0x60: {  	s16 =	simm.s32 $0x4F;
	[sflag:s13] =	ssyncset.done $0x0  }
.LBB2_8:
0x61: {  	p0 =	sne.s32 s16, $0x1;
	s16 =	sadd.s32 $0xFFFFFFFF, s16;
	[sflag:s13] =	ssyncadd.s32 $0xFFFFFF83  }
.Ltmp3:
0x62: {  	(pc) =	sbr.rel @p0 .LBB2_8-.Ltmp3, $3  }
0x63: {  	_ =	sdelay $0x1  }
0x64: {  	_ =	swait.ge [sflag:s13], $0x7D  }
0x65: {  	[sflag:s13] =	ssyncset.done $0x0  }
0x66: {  	[sflag:s13] =	ssyncadd.s32 $0xFFFFFF83  }
0x67: {  	[bflag:$0x0] =	sbarrier.arrive $0xFFFF  }
0x68: {  	[tilespmem:s14], [sflag:$0x2] =	stream.linear.gather [spmem:s4], $0x280, $0x38;
	[tilespmem:$0x3000] =	vst v63  }
0x69: {  	_ =	swait.ge [sflag:s10], $0x280  }
0x6a: {  	[sflag:s10] =	ssyncset.done $0x0  }
0x6b: {  	s16 =	simm.s32 $0x0;
	s17 =	simm.s32 $0x40;
	[sflag:s10] =	ssyncadd.s32 $0xFFFFFD80  }
.LBB2_10:
0x6c: {  	p0 =	sne.s32 s17, $0x9C0;
	v2 =	vld [tilespmem:s16+$0x2B00];
	_ =	sdelay $0x4  }
0x6d: {  	v2 =	vmax.f32 v2, $1.000000000e+00  }
0x6e: {  	v3 =	vshrl.u32 v2, $0x1;
	v2 =	vmul.f32 $5.000000000e-01, v2  }
0x6f: {  	v3 =	vsub.s32 $0x5F3759DF, v3  }
0x70: {  	v4 =	vmul.f32 v3, v2;
	_ =	sdelay $0x1  }
0x71: {  	v4 =	vmul.f32 v3, v4;
	_ =	sdelay $0x1  }
0x72: {  	v4 =	vsub.f32 $1.500000000e+00, v4;
	_ =	sdelay $0x1  }
0x73: {  	v3 =	vmul.f32 v3, v4;
	_ =	sdelay $0x1  }
0x74: {  	v4 =	vmul.f32 v3, v2;
	_ =	sdelay $0x1  }
0x75: {  	v4 =	vmul.f32 v4, v3;
	_ =	sdelay $0x1  }
0x76: {  	v4 =	vsub.f32 $1.500000000e+00, v4;
	_ =	sdelay $0x1  }
0x77: {  	v3 =	vmul.f32 v4, v3;
	_ =	sdelay $0x1  }
0x78: {  	v2 =	vmul.f32 v3, v2;
	_ =	sdelay $0x1  }
0x79: {  	v2 =	vmul.f32 v2, v3;
	_ =	sdelay $0x1  }
.Ltmp4:
0x7a: {  	v2 =	vsub.f32 $1.500000000e+00, v2;
	(pc) =	sbr.rel @p0 .LBB2_10-.Ltmp4, $3  }
0x7b: {  	_ = 	snop  }
0x7c: {  	v2 =	vmul.f32 v2, v3;
	_ =	sdelay $0x1  }
0x7d: {  	[tilespmem:s16+$0x2B00] =	vst v2;
	s16 =	sshra.s32 s17, $0x2;
	s17 =	sadd.s32 $0x40, s17  }
0x7e: {  	v2 =	vld [tilespmem:s16+$0x2B00];
	_ =	sdelay $0x4  }
0x7f: {  	v2 =	vmax.f32 v2, $1.000000000e+00  }
0x80: {  	v3 =	vshrl.u32 v2, $0x1;
	v2 =	vmul.f32 $5.000000000e-01, v2  }
0x81: {  	v3 =	vsub.s32 $0x5F3759DF, v3  }
0x82: {  	v4 =	vmul.f32 v3, v2;
	_ =	sdelay $0x1  }
0x83: {  	v4 =	vmul.f32 v3, v4;
	_ =	sdelay $0x1  }
0x84: {  	v4 =	vsub.f32 $1.500000000e+00, v4;
	_ =	sdelay $0x1  }
0x85: {  	v3 =	vmul.f32 v3, v4;
	_ =	sdelay $0x1  }
0x86: {  	v4 =	vmul.f32 v3, v2;
	_ =	sdelay $0x1  }
0x87: {  	v4 =	vmul.f32 v4, v3;
	_ =	sdelay $0x1  }
0x88: {  	v4 =	vsub.f32 $1.500000000e+00, v4;
	_ =	sdelay $0x1  }
0x89: {  	v3 =	vmul.f32 v4, v3;
	_ =	sdelay $0x1  }
0x8a: {  	v2 =	vmul.f32 v3, v2;
	_ =	sdelay $0x1  }
0x8b: {  	v2 =	vmul.f32 v2, v3;
	_ =	sdelay $0x1  }
0x8c: {  	v2 =	vsub.f32 $1.500000000e+00, v2;
	_ =	sdelay $0x1  }
0x8d: {  	s15 =	sadd.s32 $0x1, s15;
	v2 =	vmul.f32 v2, v3  }
0x8e: {  	p0 =	sne.s32 s15, s5  }
.Ltmp5:
0x8f: {  	[tilespmem:s16+$0x2B00] =	vst v2;
	(pc) =	sbr.rel @p0 .LBB2_1-.Ltmp5, $4  }
0x90: {  	[hbm4b:s6+s3] =	stream.linear.scatter [tilespmem:s14], [sflag:$0x2], $0x280, $0x38;
	[tilespmem:$0x3000] =	vst v63  }
0x91: {  	_ =	swait.ge [sflag:s10], $0x280  }
0x92: {  	[sflag:s10] =	ssyncset.done $0x0  }
0x93: {  	[sflag:s10] =	ssyncadd.s32 $0xFFFFFD80  }
0x94: {  	_ =	sfence.sel $0x180000  }
0x95: {  	[bflag:$0x0] =	sbarrier.arrive $0xFFFF  }
0x96: {  	p0 =	sne.s32 s2, $0x0;
	_ =	strace $0x90000047  }
0x97: {  	s0 =	sadd.s32 @!p0 $0x100000, s0;
	[bflag:$0x2] =	sbarrier.arrive $0xFFFF  }
0x98: {  	[sflag:s0] =	ssyncadd.tile.s32 @!p0 $0x1;
	_ =	shalt  }
.Lfunc_end2:
_tile_overlayer_lowered:
.L_overlay_start_2:
0x99: {  	(tag) =	ssettag $0x2  }
0x9a: {  	s0 =	rddreg [dreg:$0x0];
	s2 =	stileid.u32  }
0x9b: {  	s1 =	rddreg [dreg:$0x1];
	p0 =	sne.s32 s2, $0x0  }
0x9c: {  	s3 =	rddreg [dreg:$0x2];
	[bflag:$0x3] =	sbarrier.arrive $0xFFFF;
	s2 =	simm.s32 @!p0 $0x1C02  }
0x9d: {  	[timem:s3], [sflag:s2] =	dma.local @!p0 [hbm:s0], s1  }
0x9e: {  	s0 =	simm.s32 @!p0 $0x2  }
0x9f: {  	_ =	swait.ge @!p0 [sflag:s0], s1  }
0xa0: {  	s1 =	ssub.s32 @!p0 $0x0, s1;
	[sflag:s0] =	ssyncset.done @!p0 $0x0  }
0xa1: {  	[sflag:s0] =	ssyncadd.s32 @!p0 s1  }
0xa2: {  	[bflag:$0x3] =	sbarrier.arrive $0xFFFF  }
0xa3: {  	_ =	shalt  }

// kernel: kernel.9.cloned.1.call-start
scs
__scs_entry_jumppad:
0x0: {  	(pc) =	sbr.rel $0x88, $3  }
0x1: {  	(tag) =	ssettag $0x0;
	lr =	simm.s32 $0x1  }
0x2: {  	[smem:$0x3F9D] =	sst lr;
	_ =	strace $0xD0000000  }
0x3: {  	_ = 	snop  }
0x4: {  	_ = 	snop  }
0x5: {  	_ = 	snop  }
0x6: {  	_ = 	snop  }
0x7: {  	_ = 	snop  }
__scs_overlays_trampoline_lowered:
0x8: {  	[smem:$0x3FAC] =	sst s0  }
0x9: {  	[smem:$0x3FAD] =	sst s1  }
0xa: {  	[smem:$0x3FAE] =	sst s2  }
0xb: {  	[smem:$0x3FAF] =	sst s3  }
0xc: {  	[smem:$0x3FB0] =	sst s4  }
0xd: {  	[smem:$0x3FB1] =	sst s5  }
0xe: {  	[smem:$0x3FB2] =	sst s6  }
0xf: {  	[smem:$0x3FB3] =	sst s7  }
0x10: {  	[smem:$0x3FB4] =	sst s8  }
0x11: {  	[smem:$0x3FB5] =	sst s9;
	s0 =	simm.s32 @!p0 $0x0  }
0x12: {  	s1 =	sld [smem:$0x3F9B];
	s0 =	simm.s32 @p0 $0x1  }
0x13: {  	[smem:$0x3FB6] =	sst s0;
	s0 =	simm.s32 @!p1 $0x0  }
0x14: {  	s2 =	sld [smem:$0x3F9A];
	s0 =	simm.s32 @p1 $0x1  }
0x15: {  	[smem:$0x3FB7] =	sst s0;
	s0 =	simm.s32 @!p2 $0x0  }
0x16: {  	s3 =	sld [smem:$0x3FDB];
	s0 =	simm.s32 @p2 $0x1  }
0x17: {  	s4 =	simm.s32 $0x1BF5;
	[smem:$0x3FB9] =	sst s0  }
0x18: {  	s0 =	sld [smem:$0x3F9C];
	_ =	swait.ge [sflag:s4], $0x0  }
0x19: {  	s7 =	sld [smem:$0x3F9D]  }
0x1a: {  	s8 =	sadd.s32 $0xFFFFE003, lr  }
0x1b: {  	s9 =	sadd.s32 $0xFFFFFEF7, lr;
	s5 =	simm.s32 $0xFFFFFFFF;
	p2 =	slt.u32 s8, $0xFFFFF086  }
0x1c: {  	p1 =	slt.u32 s9, $0xF7A;
	s5 =	simm.s32 @!p2 $0x0  }
0x1d: {  	s5 =	simm.s32 @p1 $0x1;
	p0 =	seq.s32 s7, s2  }
0x1e: {  	s7 =	smul.u32 @!p0 $0xF7A, s2;
	p2 =	seq.s32 @!p0 s5, $0x0  }
0x1f: {  	s9 =	smul.u32 $0xF7A, s1;
	s8 =	simm.s32 @!p0 $0x1BF5;
	p2 =	por !p2, p0  }
0x20: {  	[sflag:s8] =	ssyncset.s32 @!p0 $0xFFFFF086;
	s6 =	sadd.s32 @!p0 s3, s7;
	s7 =	simm.s32 @!p0 $0x108  }
0x21: {  	s3 =	sadd.s32 s3, s9;
	s6 =	sadd.s32 @!p0 $0x88, s6;
	s7 =	simm.s32 @p2 $0x1082  }
0x22: {  	[simem:s7], [sflag:s8] =	dma.local @!p0 [hbm:s6], $0xF7A  }
0x23: {  	s9 =	sor.u32 $0xD0000000, s2;
	s6 =	simm.s32 $0x108;
	_ =	swait.ge @!p0 [sflag:s8], $0x0  }
0x24: {  	s3 =	sadd.s32 $0x88, s3;
	s6 =	simm.s32 @!p1 $0x1082;
	[sflag:s4] =	ssyncset.s32 $0xFFFFF086  }
0x25: {  	[simem:s6], [sflag:s4] =	dma.local [hbm:s3], $0xF7A  }
0x26: {  	[smem:$0x3F9D] =	sst s1;
	(tag) =	ssettag s2;
	_ =	strace s9  }
0x27: {  	s1 =	sld [smem:$0x3FAD]  }
0x28: {  	s2 =	sld [smem:$0x3FAE]  }
0x29: {  	s4 =	sld [smem:$0x3FB0]  }
0x2a: {  	p0 =	seq.s32 s5, $0x0;
	s5 =	sld [smem:$0x3FB1]  }
0x2b: {  	s6 =	sld [smem:$0x3FB2]  }
0x2c: {  	s7 =	sld [smem:$0x3FB3]  }
0x2d: {  	s3 =	simm.s32 $0x108;
	s8 =	sld [smem:$0x3FB4]  }
0x2e: {  	s3 =	simm.s32 @!p0 $0x1082;
	s9 =	sld [smem:$0x3FB5]  }
0x2f: {  	lr =	sadd.s32 s0, s3;
	s0 =	sld [smem:$0x3FAC]  }
0x30: {  	s3 =	sld [smem:$0x3FAF]  }
0x31: {  	[smem:$0x3FB8] =	sst s10  }
0x32: {  	s10 =	sld [smem:$0x3FB6];
	_ =	sdelay $0x3  }
0x33: {  	p0 =	seq.s32 s10, $0x1;
	s10 =	sld [smem:$0x3FB8];
	_ =	sdelay $0x3  }
0x34: {  	[smem:$0x3FB8] =	sst s10  }
0x35: {  	s10 =	sld [smem:$0x3FB7];
	_ =	sdelay $0x3  }
0x36: {  	p1 =	seq.s32 s10, $0x1;
	s10 =	sld [smem:$0x3FB8];
	_ =	sdelay $0x3  }
0x37: {  	[smem:$0x3FB8] =	sst s10  }
0x38: {  	s10 =	sld [smem:$0x3FB9]  }
0x39: {  	_ = 	snop;
	(pc) =	sbr.ind lr, $3  }
0x3a: {  	_ = 	snop  }
0x3b: {  	_ = 	snop  }
0x3c: {  	p2 =	seq.s32 s10, $0x1;
	s10 =	sld [smem:$0x3FB8]  }
0x3d: {  	_ =	shalt  }
0x3e: {  	_ =	shalt  }
0x3f: {  	_ =	shalt  }
0x40: {  	_ =	shalt  }
0x41: {  	_ =	shalt  }
0x42: {  	_ =	shalt  }
0x43: {  	_ =	shalt  }
0x44: {  	_ =	shalt  }
0x45: {  	_ =	shalt  }
0x46: {  	_ =	shalt  }
0x47: {  	_ =	shalt  }
0x48: {  	_ =	shalt  }
0x49: {  	_ =	shalt  }
0x4a: {  	_ =	shalt  }
0x4b: {  	_ =	shalt  }
0x4c: {  	_ =	shalt  }
0x4d: {  	_ =	shalt  }
0x4e: {  	_ =	shalt  }
0x4f: {  	_ =	shalt  }
0x50: {  	_ =	shalt  }
0x51: {  	_ =	shalt  }
0x52: {  	_ =	shalt  }
0x53: {  	_ =	shalt  }
0x54: {  	_ =	shalt  }
0x55: {  	_ =	shalt  }
0x56: {  	_ =	shalt  }
0x57: {  	_ =	shalt  }
0x58: {  	_ =	shalt  }
0x59: {  	_ =	shalt  }
0x5a: {  	_ =	shalt  }
0x5b: {  	_ =	shalt  }
0x5c: {  	_ =	shalt  }
0x5d: {  	_ =	shalt  }
0x5e: {  	_ =	shalt  }
0x5f: {  	_ =	shalt  }
0x60: {  	_ =	shalt  }
0x61: {  	_ =	shalt  }
0x62: {  	_ =	shalt  }
0x63: {  	_ =	shalt  }
0x64: {  	_ =	shalt  }
0x65: {  	_ =	shalt  }
0x66: {  	_ =	shalt  }
0x67: {  	_ =	shalt  }
0x68: {  	_ =	shalt  }
0x69: {  	_ =	shalt  }
0x6a: {  	_ =	shalt  }
0x6b: {  	_ =	shalt  }
0x6c: {  	_ =	shalt  }
0x6d: {  	_ =	shalt  }
0x6e: {  	_ =	shalt  }
0x6f: {  	_ =	shalt  }
0x70: {  	_ =	shalt  }
0x71: {  	_ =	shalt  }
0x72: {  	_ =	shalt  }
0x73: {  	_ =	shalt  }
0x74: {  	_ =	shalt  }
0x75: {  	_ =	shalt  }
0x76: {  	_ =	shalt  }
0x77: {  	_ =	shalt  }
0x78: {  	_ =	shalt  }
0x79: {  	_ =	shalt  }
0x7a: {  	_ =	shalt  }
0x7b: {  	_ =	shalt  }
0x7c: {  	_ =	shalt  }
0x7d: {  	_ =	shalt  }
0x7e: {  	_ =	shalt  }
0x7f: {  	_ =	shalt  }
0x80: {  	_ =	shalt  }
0x81: {  	_ =	shalt  }
0x82: {  	_ =	shalt  }
0x83: {  	_ =	shalt  }
0x84: {  	_ =	shalt  }
0x85: {  	_ =	shalt  }
0x86: {  	_ =	shalt  }
0x87: {  	_ =	shalt  }
.Lfunc_end0:
.L_simem_size_0:
called_computation.1_lowered:
.L_overlay_start_0:
0x88: {  	s2 =	sld [smem:$0x3FD9]  }
0x89: {  	s3 =	sld [smem:$0x3FFE];
	_ =	sdelay $0x1  }
0x8a: {  	s1 =	srdreg.scid  }
0x8b: {  	s0 =	sand.u32 $0x1, s1  }
0x8c: {  	s17 =	sshll.u32 s0, $0xA;
	s2 =	sadd.s32 s3, s2  }
0x8d: {  	s2 =	sadd.s32 s2, s17  }
0x8e: {  	[smem:$0x3FC4] =	sst s2  }
0x8f: {  	_ = 	snop  }
0x90: {  	s2 =	sld [smem:$0x3FD0];
	(tm) =	ssettm $0x1  }
0x91: {  	s18 =	sld [smem:$0x3FFB];
	_ =	sdelay $0x3  }
0x92: {  	_ =	strace s18  }
0x93: {  	s3 =	sld [smem:$0x3FFC];
	_ =	sdelay $0x3  }
0x94: {  	_ =	strace s3  }
0x95: {  	s3 =	sld [smem:$0x3FFD];
	_ =	sdelay $0x3  }
0x96: {  	_ =	strace s3  }
0x97: {  	_ =	strace $0x8FFFFFFF  }
0x98: {  	s19 =	sld [smem:$0x3FDB];
	_ =	sdelay $0x1  }
0x99: {  	s4 =	simm.s32 $_scs_section_size  }
0x9a: {  	s5 =	simm.s32 $_size__tile_overlayer_lowered;
	s6 =	simm.s32 $_tile_overlayer_lowered  }
0x9b: {  	s22 =	simm.s32 $0x1BFF;
	s21 =	sshll.u32 s6, $0x1;
	s3 =	sadd.s32 s4, s19  }
0x9c: {  	s7 =	simm.s32 $0x0;
	s20 =	sshll.u32 s5, $0x1;
	s5 =	sadd.s32 s21, s3  }
0x9d: {  	[timem:s7], [sflag:s22] =	dma.local [hbm:s5], s20  }
0x9e: {  	_ =	swait.ge [sflag:s22], s20  }
0x9f: {  	s4 =	ssub.s32 $0x0, s20;
	[sflag:s22] =	ssyncset.done $0x0  }
0xa0: {  	[sflag:s22] =	ssyncadd.s32 s4;
	_ =	sdelay $0x1  }
0xa1: {  	s23 =	simm.s32 $0x1B8B  }
0xa2: {  	_ =	swait.ge [sflag:s23], $0x1  }
0xa3: {  	[sflag:s23] =	ssyncset.done $0x0  }
0xa4: {  	s25 =	simm.s32 $0x1B8E;
	s24 =	sld [smem:$0x3FFE];
	[sflag:s23] =	ssyncadd.s32 $0xFFFFFFFF  }
0xa5: {  	s26 =	simm.s32 $execute0_lowered;
	[smem:$0x3FD2] =	sst s25  }
0xa6: {  	s5 =	sshll.u32 s26, $0x1;
	_ =	strace $0x80000049;
	[dreg:$0x1] =	wrdreg $0xFFFFFFFF  }
0xa7: {  	s28 =	simm.s32 $_size_execute0_lowered;
	s3 =	sadd.s32 s3, s5;
	[dreg:$0x0] =	wrdreg $0x0  }
0xa8: {  	s5 =	sshll.u32 s28, $0x1;
	[dreg:$0x2] =	wrdreg s3  }
0xa9: {  	[dreg:$0x3] =	wrdreg s5  }
0xaa: {  	[dreg:$0x4] =	wrdreg $0xC0  }
0xab: {  	_ =	task [dreg:s7], $0x5FFFF  }
0xac: {  	[dreg:$0x1] =	wrdreg $0xFFFFFFFF  }
0xad: {  	[dreg:$0x0] =	wrdreg $0x60  }
0xae: {  	[dreg:$0x2] =	wrdreg s2  }
0xaf: {  	[dreg:$0x3] =	wrdreg s24  }
0xb0: {  	[dreg:$0x4] =	wrdreg $0xA8000  }
0xb1: {  	[dreg:$0x5] =	wrdreg $0x9  }
0xb2: {  	_ =	task.clear_ibuf [dreg:s7], $0x6FFFF;
	_ =	strace $0x90000049  }
0xb3: {  	s29 =	simm.s32 $0x9;
	_ =	strace $0x8000004B  }
0xb4: {  	_ =	swait.ge [sflag:s29], $0x1  }
0xb5: {  	[sflag:s29] =	ssyncadd.s32 $0xFFFFFFFF  }
0xb6: {  	_ =	strace $0x9000004B  }
0xb7: {  	_ =	sfence  }
0xb8: {  	s30 =	sld [smem:$0x0];
	_ =	sdelay $0x2  }
0xb9: {  	s31 =	sshll.u32 s1, $0xD;
	s1 =	sshrl.u32 s1, $0x2  }
0xba: {  	s3 =	sand.u32 $0x4000, s31;
	s1 =	sadd.s32 s1, s30  }
0xbb: {  	s0 =	sor.u32 s3, s0;
	s1 =	sshll.u32 s1, $0x11  }
0xbc: {  	s0 =	sor.u32 s1, s0  }
0xbd: {  	s0 =	sadd.s32 $0x8F2B, s0  }
0xbe: {  	[sflag:s0] =	ssyncadd.remote.s32 $0x1  }
0xbf: {  	_ =	sfence.sel $0xFFFF  }
0xc0: {  	[dreg:$0x0] =	wrdreg $0xFFFFFFFF;
	(pc) =	sbr.abs _section_cstart, $3  }
0xc1: {  	[dreg:$0x1] =	wrdreg $0xFFFFFFFF  }
0xc2: {  	_ =	task.clear_ibuf [dreg:s7], $0x2FFFF;
	_ =	strace $0x9FFFFFFF  }
0xc3: {  	(tm) =	ssettm $0x7FFFFFFF  }
tec
execute0_lowered:
.L_overlay_start_1:
0x0: {  	(tag) =	ssettag $0x1  }
0x1: {  	s1 =	rddreg [dreg:$0x0]  }
0x2: {  	s5 =	rddreg [dreg:$0x1]  }
0x3: {  	s2 =	rddreg [dreg:$0x2];
	s3 =	srdreg.scid  }
0x4: {  	s0 =	rddreg [dreg:$0x3];
	s4 =	simm.s32 $0x0;
	s18 =	simm.s32 $0x3  }
0x5: {  	s19 =	simm.s32 $0x1400;
	s20 =	simm.s32 $0x7D;
	s6 =	sand.u32 $0x1, s3  }
0x6: {  	s21 =	simm.s32 $0x80;
	s3 =	stileid.u32;
	s7 =	smul.u32 $0x140000, s6  }
0x7: {  	s22 =	simm.s32 $0x6800;
	s23 =	simm.s32 $0x1;
	s8 =	smul.u32 $0x14000, s3  }
0x8: {  	s24 =	simm.s32 $0x2;
	s25 =	simm.s32 $0x2700;
	s30 =	smul.u32 $0x50000, s3  }
0x9: {  	s26 =	simm.s32 $0x2780;
	[smem:$0x7FF] =	sst s4;
	s10 =	smul.u32 $0x28000, s6  }
0xa: {  	s13 =	sadd.s32 $0xB800, s5;
	s9 =	ssub.s32 $0x2, s6;
	s11 =	smul.u32 $0x2800, s3  }
0xb: {  	s14 =	sadd.s32 $0x1800, s5;
	_ =	strace $0x8000004A;
	s31 =	sshrl.u32 s9, $0x1  }
0xc: {  	s7 =	sadd.s32 s8, s7;
	s8 =	sshrl.u32 s30, $0x2;
	s10 =	sadd.s32 s11, s10  }
0xd: {  	s16 =	ssub.s32 s9, s31;
	s7 =	sshrl.u32 s7, $0x3;
	s12 =	sshrl.u32 s10, $0x3  }
0xe: {  	s16 =	smax.u32 s16, $0x1;
	s15 =	sadd.s32 s7, s5;
	s5 =	sadd.s32 s8, s2  }
0xf: {  	s11 =	sadd.s32 s13, s12;
	s17 =	sadd.s32 $0x280, s12;
	s12 =	sadd.s32 s14, s12  }
0x10: {  	s6 =	sadd.s32 $0x3E80, s5;
	s7 =	sadd.s32 $0x7D00, s5;
	s8 =	sadd.s32 $0xBB80, s5  }
0x11: {  	s9 =	sadd.s32 $0xFA00, s5;
	s10 =	sadd.s32 $0x13880, s5;
	s13 =	sadd.s32 s13, s17  }
0x12: {  	v0 =	vimm.f32 $0.0e+00;
	s14 =	sadd.s32 s14, s17;
	s15 =	sadd.s32 $0x15E00, s15;
	s17 =	simm.s32 $0x2800  }
.LBB2_1:
0x13: {  	s28 =	simm.s32 $0x0;
	s29 =	simm.s32 $0x200  }
.LBB2_2:
0x14: {  	p0 =	sne.s32 s29, $0xF800;
	[tilespmem:s28+$0x2870] =	vst v0  }
0x15: {  	[tilespmem:s28+$0x2800] =	vst v0  }
0x16: {  	[tilespmem:s28+$0x2810] =	vst v0  }
.Ltmp0:
0x17: {  	[tilespmem:s28+$0x2820] =	vst v0;
	(pc) =	sbr.rel @p0 .LBB2_2-.Ltmp0, $4  }
0x18: {  	[tilespmem:s28+$0x2830] =	vst v0  }
0x19: {  	[tilespmem:s28+$0x2840] =	vst v0  }
0x1a: {  	[tilespmem:s28+$0x2850] =	vst v0  }
0x1b: {  	[tilespmem:s28+$0x2860] =	vst v0;
	s28 =	sshra.s32 s29, $0x2;
	s29 =	sadd.s32 $0x200, s29  }
0x1c: {  	[tilespmem:s28+$0x2870] =	vst v0  }
0x1d: {  	[tilespmem:s28+$0x2800] =	vst v0  }
0x1e: {  	[tilespmem:s28+$0x2810] =	vst v0  }
0x1f: {  	[tilespmem:s28+$0x2820] =	vst v0  }
0x20: {  	[tilespmem:s28+$0x2830] =	vst v0  }
0x21: {  	[tilespmem:s28+$0x2840] =	vst v0  }
0x22: {  	[tilespmem:s28+$0x2850] =	vst v0  }
0x23: {  	[tilespmem:s28+$0x2860] =	vst v0  }
0x24: {  	[spmem:s5] =	stream.linear.scatter [tilespmem:s17], [sflag:$0x3], $0x3E80, $0x38;
	[tilespmem:$0x1E800] =	vst v63  }
0x25: {  	_ =	swait.ge [sflag:s18], $0x3E80  }
0x26: {  	[sflag:s18] =	ssyncset.done $0x0  }
0x27: {  	[sflag:s18] =	ssyncadd.s32 $0xFFFFC180  }
0x28: {  	[spmem:s6] =	stream.linear.scatter [tilespmem:s17], [sflag:$0x3], $0x3E80, $0x38;
	[tilespmem:$0x1E800] =	vst v63  }
0x29: {  	_ =	swait.ge [sflag:s18], $0x3E80  }
0x2a: {  	[sflag:s18] =	ssyncset.done $0x0  }
0x2b: {  	[sflag:s18] =	ssyncadd.s32 $0xFFFFC180  }
0x2c: {  	[spmem:s7] =	stream.linear.scatter [tilespmem:s17], [sflag:$0x3], $0x3E80, $0x38;
	[tilespmem:$0x1E800] =	vst v63  }
0x2d: {  	_ =	swait.ge [sflag:s18], $0x3E80  }
0x2e: {  	[sflag:s18] =	ssyncset.done $0x0  }
0x2f: {  	[sflag:s18] =	ssyncadd.s32 $0xFFFFC180  }
0x30: {  	[spmem:s8] =	stream.linear.scatter [tilespmem:s17], [sflag:$0x3], $0x3E80, $0x38;
	[tilespmem:$0x1E800] =	vst v63  }
0x31: {  	_ =	swait.ge [sflag:s18], $0x3E80  }
0x32: {  	[sflag:s18] =	ssyncset.done $0x0  }
0x33: {  	[sflag:s18] =	ssyncadd.s32 $0xFFFFC180  }
0x34: {  	[spmem:s9] =	stream.linear.scatter [tilespmem:s17], [sflag:$0x3], $0x3E80, $0x38;
	[tilespmem:$0x1E800] =	vst v63  }
0x35: {  	_ =	swait.ge [sflag:s18], $0x3E80  }
0x36: {  	[sflag:s18] =	ssyncset.done $0x0  }
0x37: {  	[sflag:s18] =	ssyncadd.s32 $0xFFFFC180  }
0x38: {  	[spmem:s10] =	stream.linear.scatter [tilespmem:s17], [sflag:$0x3], $0x780, $0x38;
	[tilespmem:$0x1E800] =	vst v63  }
0x39: {  	_ =	swait.ge [sflag:s18], $0x780  }
0x3a: {  	[sflag:s18] =	ssyncset.done $0x0  }
0x3b: {  	[sflag:s18] =	ssyncadd.s32 $0xFFFFF880  }
0x3c: {  	s28 =	simm.s32 $0x0;
	[bflag:$0x0] =	sbarrier.arrive $0xFFFF  }
0x3d: {  	[tilespmem:s28], [sflag:$0x3] =	stream.linear.gather [hbm4b:s11+s28], $0x1400, $0x38;
	[tilespmem:$0x1E800] =	vst v63  }
0x3e: {  	_ =	swait.ge [sflag:s18], $0x1400  }
0x3f: {  	[sflag:s18] =	ssyncset.done $0x0  }
0x40: {  	[sflag:s18] =	ssyncadd.s32 $0xFFFFEC00  }
0x41: {  	[tilespmem:s19], [sflag:$0x3] =	stream.linear.gather [hbm4b:s12+s28], $0x1400, $0x38;
	[tilespmem:$0x1E800] =	vst v63  }
0x42: {  	_ =	swait.ge [sflag:s18], $0x1400  }
0x43: {  	[sflag:s18] =	ssyncset.done $0x0  }
0x44: {  	[sflag:s18] =	ssyncadd.s32 $0xFFFFEC00  }
0x45: {  	[tilespmem:s17], [sflag:$0x1] =	stream.indirect.gather [hbm4b:s1+s20], $0x80, s28, s20, $0xb8;
	[tilespmem:$0x1E800] =	vst v63  }
0x46: {  	_ = 	snop  }
0x47: {  	[tilespmem:s22], [sflag:$0x2] =	stream.indirect.gather [hbm4b:s1+s20], $0x80, s21, s20, $0xb8;
	[tilespmem:$0x1E800] =	vst v63  }
0x48: {  	_ =	swait.ge [sflag:s23], $0x3E80  }
0x49: {  	[sflag:s23] =	ssyncset.done $0x0  }
0x4a: {  	s28 =	simm.s32 $0x1400;
	[sflag:s23] =	ssyncadd.s32 $0xFFFFC180  }
0x4b: {  	[spmem:s2] =	stream.indirect.scatter.add.f32 [tilespmem:s17], [sflag:$0x3], $0x80, s28, s20, $0xb8;
	[tilespmem:$0x1E800] =	vst v63  }
0x4c: {  	_ =	swait.ge [sflag:s18], $0x3E80  }
0x4d: {  	[sflag:s18] =	ssyncset.done $0x0  }
0x4e: {  	s28 =	simm.s32 $0x100;
	[sflag:s18] =	ssyncadd.s32 $0xFFFFC180  }
0x4f: {  	[tilespmem:s17], [sflag:$0x1] =	stream.indirect.gather [hbm4b:s1+s20], $0x80, s28, s20, $0xb8;
	[tilespmem:$0x1E800] =	vst v63  }
0x50: {  	_ =	swait.ge [sflag:s24], $0x3E80  }
0x51: {  	[sflag:s24] =	ssyncset.done $0x0  }
0x52: {  	s28 =	simm.s32 $0x1480;
	[sflag:s24] =	ssyncadd.s32 $0xFFFFC180  }
0x53: {  	[spmem:s2] =	stream.indirect.scatter.add.f32 [tilespmem:s22], [sflag:$0x3], $0x80, s28, s20, $0xb8;
	[tilespmem:$0x1E800] =	vst v63  }
0x54: {  	_ =	swait.ge [sflag:s18], $0x3E80  }
0x55: {  	[sflag:s18] =	ssyncset.done $0x0  }
0x56: {  	s29 =	simm.s32 $0x180;
	s28 =	simm.s32 $0x400;
	[sflag:s18] =	ssyncadd.s32 $0xFFFFC180  }
.LBB2_4:
0x57: {  	[tilespmem:s22], [sflag:$0x2] =	stream.indirect.gather [hbm4b:s1+s20], $0x80, s29, s20, $0xb8;
	[tilespmem:$0x1E800] =	vst v63  }
0x58: {  	s29 =	smov.u32 s28  }
0x59: {  	p0 =	sne.s32 s28, $0x4800;
	s28 =	sadd.s32 $0x400, s28;
	_ =	swait.ge [sflag:s23], $0x3E80  }
0x5a: {  	s29 =	sshra.s32 s29, $0x2;
	[sflag:s23] =	ssyncset.done $0x0  }
0x5b: {  	s30 =	sadd.s32 $0x1400, s29;
	[sflag:s23] =	ssyncadd.s32 $0xFFFFC180  }
0x5c: {  	[spmem:s2] =	stream.indirect.scatter.add.f32 [tilespmem:s17], [sflag:$0x3], $0x80, s30, s20, $0xb8;
	[tilespmem:$0x1E800] =	vst v63  }
0x5d: {  	_ =	swait.ge [sflag:s18], $0x3E80  }
0x5e: {  	[sflag:s18] =	ssyncset.done $0x0  }
0x5f: {  	s30 =	sadd.s32 $0x100, s29;
	[sflag:s18] =	ssyncadd.s32 $0xFFFFC180  }
0x60: {  	[tilespmem:s17], [sflag:$0x1] =	stream.indirect.gather [hbm4b:s1+s20], $0x80, s30, s20, $0xb8;
	[tilespmem:$0x1E800] =	vst v63  }
0x61: {  	_ =	swait.ge [sflag:s24], $0x3E80  }
0x62: {  	[sflag:s24] =	ssyncset.done $0x0  }
.Ltmp1:
0x63: {  	s30 =	sadd.s32 $0x1480, s29;
	[sflag:s24] =	ssyncadd.s32 $0xFFFFC180;
	(pc) =	sbr.rel @p0 .LBB2_4-.Ltmp1, $4  }
0x64: {  	[spmem:s2] =	stream.indirect.scatter.add.f32 [tilespmem:s22], [sflag:$0x3], $0x80, s30, s20, $0xb8;
	[tilespmem:$0x1E800] =	vst v63  }
0x65: {  	_ =	swait.ge [sflag:s18], $0x3E80  }
0x66: {  	[sflag:s18] =	ssyncset.done $0x0  }
0x67: {  	s29 =	sadd.s32 $0x180, s29;
	[sflag:s18] =	ssyncadd.s32 $0xFFFFC180  }
0x68: {  	[tilespmem:s22], [sflag:$0x2] =	stream.indirect.gather [hbm4b:s1+s20], $0x80, s29, s20, $0xb8;
	[tilespmem:$0x1E800] =	vst v63  }
0x69: {  	_ =	swait.ge [sflag:s23], $0x3E80  }
0x6a: {  	[sflag:s23] =	ssyncset.done $0x0  }
0x6b: {  	[sflag:s23] =	ssyncadd.s32 $0xFFFFC180  }
0x6c: {  	[spmem:s2] =	stream.indirect.scatter.add.f32 [tilespmem:s17], [sflag:$0x3], $0x80, s25, s20, $0xb8;
	[tilespmem:$0x1E800] =	vst v63  }
0x6d: {  	_ =	swait.ge [sflag:s18], $0x3E80  }
0x6e: {  	[sflag:s18] =	ssyncset.done $0x0  }
0x6f: {  	[sflag:s18] =	ssyncadd.s32 $0xFFFFC180  }
0x70: {  	_ =	swait.ge [sflag:s24], $0x3E80  }
0x71: {  	[sflag:s24] =	ssyncset.done $0x0  }
0x72: {  	[sflag:s24] =	ssyncadd.s32 $0xFFFFC180  }
0x73: {  	[spmem:s2] =	stream.indirect.scatter.add.f32 [tilespmem:s22], [sflag:$0x3], $0x80, s26, s20, $0xb8;
	[tilespmem:$0x1E800] =	vst v63  }
0x74: {  	_ =	swait.ge [sflag:s18], $0x3E80  }
0x75: {  	[sflag:s18] =	ssyncset.done $0x0  }
0x76: {  	s28 =	simm.s32 $0x0;
	[sflag:s18] =	ssyncadd.s32 $0xFFFFC180  }
0x77: {  	[tilespmem:s28], [sflag:$0x3] =	stream.linear.gather [hbm4b:s13+s28], $0x1400, $0x38;
	[tilespmem:$0x1E800] =	vst v63  }
0x78: {  	_ =	swait.ge [sflag:s18], $0x1400  }
0x79: {  	[sflag:s18] =	ssyncset.done $0x0  }
0x7a: {  	[sflag:s18] =	ssyncadd.s32 $0xFFFFEC00  }
0x7b: {  	[tilespmem:s19], [sflag:$0x3] =	stream.linear.gather [hbm4b:s14+s28], $0x1400, $0x38;
	[tilespmem:$0x1E800] =	vst v63  }
0x7c: {  	_ =	swait.ge [sflag:s18], $0x1400  }
0x7d: {  	[sflag:s18] =	ssyncset.done $0x0  }
0x7e: {  	[sflag:s18] =	ssyncadd.s32 $0xFFFFEC00  }
0x7f: {  	[tilespmem:s17], [sflag:$0x1] =	stream.indirect.gather [hbm4b:s1+s20], $0x80, s28, s20, $0xb8;
	[tilespmem:$0x1E800] =	vst v63  }
0x80: {  	_ = 	snop  }
0x81: {  	[tilespmem:s22], [sflag:$0x2] =	stream.indirect.gather [hbm4b:s1+s20], $0x80, s21, s20, $0xb8;
	[tilespmem:$0x1E800] =	vst v63  }
0x82: {  	_ =	swait.ge [sflag:s23], $0x3E80  }
0x83: {  	[sflag:s23] =	ssyncset.done $0x0  }
0x84: {  	s28 =	simm.s32 $0x1400;
	[sflag:s23] =	ssyncadd.s32 $0xFFFFC180  }
0x85: {  	[spmem:s2] =	stream.indirect.scatter.add.f32 [tilespmem:s17], [sflag:$0x3], $0x80, s28, s20, $0xb8;
	[tilespmem:$0x1E800] =	vst v63  }
0x86: {  	_ =	swait.ge [sflag:s18], $0x3E80  }
0x87: {  	[sflag:s18] =	ssyncset.done $0x0  }
0x88: {  	s28 =	simm.s32 $0x100;
	[sflag:s18] =	ssyncadd.s32 $0xFFFFC180  }
0x89: {  	[tilespmem:s17], [sflag:$0x1] =	stream.indirect.gather [hbm4b:s1+s20], $0x80, s28, s20, $0xb8;
	[tilespmem:$0x1E800] =	vst v63  }
0x8a: {  	_ =	swait.ge [sflag:s24], $0x3E80  }
0x8b: {  	[sflag:s24] =	ssyncset.done $0x0  }
0x8c: {  	s28 =	simm.s32 $0x1480;
	[sflag:s24] =	ssyncadd.s32 $0xFFFFC180  }
0x8d: {  	[spmem:s2] =	stream.indirect.scatter.add.f32 [tilespmem:s22], [sflag:$0x3], $0x80, s28, s20, $0xb8;
	[tilespmem:$0x1E800] =	vst v63  }
0x8e: {  	_ =	swait.ge [sflag:s18], $0x3E80  }
0x8f: {  	[sflag:s18] =	ssyncset.done $0x0  }
0x90: {  	s29 =	simm.s32 $0x180;
	s28 =	simm.s32 $0x400;
	[sflag:s18] =	ssyncadd.s32 $0xFFFFC180  }
.LBB2_6:
0x91: {  	[tilespmem:s22], [sflag:$0x2] =	stream.indirect.gather [hbm4b:s1+s20], $0x80, s29, s20, $0xb8;
	[tilespmem:$0x1E800] =	vst v63  }
0x92: {  	s29 =	smov.u32 s28  }
0x93: {  	p0 =	sne.s32 s28, $0x4800;
	s28 =	sadd.s32 $0x400, s28;
	_ =	swait.ge [sflag:s23], $0x3E80  }
0x94: {  	s29 =	sshra.s32 s29, $0x2;
	[sflag:s23] =	ssyncset.done $0x0  }
0x95: {  	s30 =	sadd.s32 $0x1400, s29;
	[sflag:s23] =	ssyncadd.s32 $0xFFFFC180  }
0x96: {  	[spmem:s2] =	stream.indirect.scatter.add.f32 [tilespmem:s17], [sflag:$0x3], $0x80, s30, s20, $0xb8;
	[tilespmem:$0x1E800] =	vst v63  }
0x97: {  	_ =	swait.ge [sflag:s18], $0x3E80  }
0x98: {  	[sflag:s18] =	ssyncset.done $0x0  }
0x99: {  	s30 =	sadd.s32 $0x100, s29;
	[sflag:s18] =	ssyncadd.s32 $0xFFFFC180  }
0x9a: {  	[tilespmem:s17], [sflag:$0x1] =	stream.indirect.gather [hbm4b:s1+s20], $0x80, s30, s20, $0xb8;
	[tilespmem:$0x1E800] =	vst v63  }
0x9b: {  	_ =	swait.ge [sflag:s24], $0x3E80  }
0x9c: {  	[sflag:s24] =	ssyncset.done $0x0  }
.Ltmp2:
0x9d: {  	s30 =	sadd.s32 $0x1480, s29;
	[sflag:s24] =	ssyncadd.s32 $0xFFFFC180;
	(pc) =	sbr.rel @p0 .LBB2_6-.Ltmp2, $4  }
0x9e: {  	[spmem:s2] =	stream.indirect.scatter.add.f32 [tilespmem:s22], [sflag:$0x3], $0x80, s30, s20, $0xb8;
	[tilespmem:$0x1E800] =	vst v63  }
0x9f: {  	_ =	swait.ge [sflag:s18], $0x3E80  }
0xa0: {  	[sflag:s18] =	ssyncset.done $0x0  }
0xa1: {  	s29 =	sadd.s32 $0x180, s29;
	[sflag:s18] =	ssyncadd.s32 $0xFFFFC180  }
0xa2: {  	[tilespmem:s22], [sflag:$0x2] =	stream.indirect.gather [hbm4b:s1+s20], $0x80, s29, s20, $0xb8;
	[tilespmem:$0x1E800] =	vst v63  }
0xa3: {  	_ =	swait.ge [sflag:s23], $0x3E80  }
0xa4: {  	[sflag:s23] =	ssyncset.done $0x0  }
0xa5: {  	[sflag:s23] =	ssyncadd.s32 $0xFFFFC180  }
0xa6: {  	[spmem:s2] =	stream.indirect.scatter.add.f32 [tilespmem:s17], [sflag:$0x3], $0x80, s25, s20, $0xb8;
	[tilespmem:$0x1E800] =	vst v63  }
0xa7: {  	_ =	swait.ge [sflag:s18], $0x3E80  }
0xa8: {  	[sflag:s18] =	ssyncset.done $0x0  }
0xa9: {  	[sflag:s18] =	ssyncadd.s32 $0xFFFFC180  }
0xaa: {  	_ =	swait.ge [sflag:s24], $0x3E80  }
0xab: {  	[sflag:s24] =	ssyncset.done $0x0  }
0xac: {  	[sflag:s24] =	ssyncadd.s32 $0xFFFFC180  }
0xad: {  	[spmem:s2] =	stream.indirect.scatter.add.f32 [tilespmem:s22], [sflag:$0x3], $0x80, s26, s20, $0xb8;
	[tilespmem:$0x1E800] =	vst v63  }
0xae: {  	_ =	swait.ge [sflag:s18], $0x3E80  }
0xaf: {  	s28 =	sshll.u32 s3, $0x6;
	s4 =	sadd.s32 $0x1, s4;
	[sflag:s18] =	ssyncset.done $0x0  }
0xb0: {  	s31 =	sshrl.u32 s5, $0x3;
	p0 =	sne.s32 s4, s16;
	[sflag:s18] =	ssyncadd.s32 $0xFFFFC180  }
.Ltmp3:
0xb1: {  	s28 =	sor.u32 $0x1C03, s28;
	[bflag:$0x0] =	sbarrier.arrive $0xFFFF;
	(pc) =	sbr.rel @p0 .LBB2_1-.Ltmp3, $4  }
0xb2: {  	[hbm:s15], [sflag:s28] =	dma.local [spmem:s31], $0x2800  }
0xb3: {  	_ =	swait.ge [sflag:s18], $0x2800  }
0xb4: {  	[sflag:s18] =	ssyncset.done $0x0  }
0xb5: {  	[sflag:s18] =	ssyncadd.s32 $0xFFFFD800  }
0xb6: {  	_ =	sfence.sel $0x180000  }
0xb7: {  	[bflag:$0x0] =	sbarrier.arrive $0xFFFF  }
0xb8: {  	p0 =	sne.s32 s3, $0x0;
	_ =	strace $0x9000004A  }
0xb9: {  	s0 =	sadd.s32 @!p0 $0x100000, s0;
	[bflag:$0x2] =	sbarrier.arrive $0xFFFF  }
0xba: {  	[sflag:s0] =	ssyncadd.tile.s32 @!p0 $0x1;
	_ =	shalt  }
.Lfunc_end2:
_tile_overlayer_lowered:
.L_overlay_start_2:
0xbb: {  	(tag) =	ssettag $0x2  }
0xbc: {  	s0 =	rddreg [dreg:$0x0];
	s2 =	stileid.u32  }
0xbd: {  	s1 =	rddreg [dreg:$0x1];
	p0 =	sne.s32 s2, $0x0  }
0xbe: {  	s3 =	rddreg [dreg:$0x2];
	[bflag:$0x3] =	sbarrier.arrive $0xFFFF;
	s2 =	simm.s32 @!p0 $0x1C03  }
0xbf: {  	[timem:s3], [sflag:s2] =	dma.local @!p0 [hbm:s0], s1  }
0xc0: {  	s0 =	simm.s32 @!p0 $0x3  }
0xc1: {  	_ =	swait.ge @!p0 [sflag:s0], s1  }
0xc2: {  	s1 =	ssub.s32 @!p0 $0x0, s1;
	[sflag:s0] =	ssyncset.done @!p0 $0x0  }
0xc3: {  	[sflag:s0] =	ssyncadd.s32 @!p0 s1  }
0xc4: {  	[bflag:$0x3] =	sbarrier.arrive $0xFFFF  }
0xc5: {  	_ =	shalt  }

</sc_bundles>
